<compile_context>
chip_gen: v7x
topology: tpu7x:2x2x1
jax: 0.10.2.dev20260603
libtpu: 0.0.44.dev20260713+nightly
codegen_flags: <defaults>
</compile_context>

<pallas_src>
import functools

import jax
import jax.numpy as jnp
from jax import lax
from jax.experimental import pallas as pl
from jax.experimental.pallas import tpu as pltpu
from jax.experimental.pallas import tpu_sc as plsc

D = 256
K = 8192
N = 16384
BN = 128

_SEG = (0, 2736, 5472, 8192)

_DIMS = (((1,), (1,)), ((), ()))


def _argmin_body(flat_ref, xsq_ref, cb_ref, esq_ref, pen_ref, idx_ref):
    flat = flat_ref[...]
    fb = flat.astype(jnp.bfloat16)
    cb = cb_ref[...].astype(jnp.bfloat16)
    dots = lax.dot_general(fb, cb, _DIMS,
                           preferred_element_type=jnp.float32)
    dist = xsq_ref[...] - 2.0 * dots + esq_ref[...]
    accv = jnp.full((BN,), jnp.inf, jnp.float32)
    acci = jnp.zeros((BN,), jnp.int32)
    for s in range(len(_SEG) - 1):
        seg = dist + pen_ref[s, :][None, :]
        v = jnp.min(seg, axis=1)
        i = jnp.argmin(seg, axis=1).astype(jnp.int32)
        take = v < accv
        acci = jnp.where(take, i, acci)
        accv = jnp.where(take, v, accv)
        accv = accv.astype(jnp.bfloat16).astype(jnp.float32)
    idx_ref[...] = acci[:, None]


def _nearest_idx(flat, x_sq, codebook, esq):
    nseg = len(_SEG) - 1
    col = jnp.arange(K)[None, :]
    seg_a = jnp.asarray(_SEG[:-1])[:, None]
    seg_b = jnp.asarray(_SEG[1:])[:, None]
    pen = jnp.where((col >= seg_a) & (col < seg_b), 0.0,
                    jnp.inf).astype(jnp.float32)
    return pl.pallas_call(
        _argmin_body,
        grid=(N // BN,),
        in_specs=[
            pl.BlockSpec((BN, D), lambda i: (i, 0)),
            pl.BlockSpec((BN, 1), lambda i: (i, 0)),
            pl.BlockSpec((K, D), lambda i: (0, 0)),
            pl.BlockSpec((1, K), lambda i: (0, 0)),
            pl.BlockSpec((nseg, K), lambda i: (0, 0)),
        ],
        out_specs=pl.BlockSpec((BN, 1), lambda i: (i, 0)),
        out_shape=jax.ShapeDtypeStruct((N, 1), jnp.int32),
    )(flat, x_sq, codebook, esq, pen)


_NC, _NS = 2, 16
_NW = _NC * _NS
_RPW = N // _NW
_CH = 128
_NCH = _RPW // _CH


@functools.cache
def _make_gather():
    mesh = plsc.VectorSubcoreMesh(core_axis_name="c", subcore_axis_name="s")

    @functools.partial(
        pl.kernel,
        out_type=jax.ShapeDtypeStruct((N, D), jnp.float32),
        mesh=mesh,
        scratch_types=[
            pltpu.VMEM((_NCH, _CH), jnp.int32),
            pltpu.VMEM((_CH, D), jnp.float32),
            pltpu.SemaphoreType.DMA,
        ],
    )
    def gather_k(table_hbm, idx_hbm, out_hbm, idx_v, rows_v, sem):
        wid = lax.axis_index("s") * _NC + lax.axis_index("c")
        base = wid * _RPW
        pltpu.sync_copy(idx_hbm.at[wid], idx_v)
        for c in range(_NCH):
            pltpu.async_copy(table_hbm.at[idx_v.at[c]], rows_v, sem).wait()
            pltpu.sync_copy(rows_v, out_hbm.at[pl.ds(base + c * _CH, _CH)])

    return gather_k


def kernel(z, codebook):
    B, T, _ = z.shape
    flat = z.reshape(-1, D)
    x_sq = jnp.sum(flat * flat, axis=1, keepdims=True)
    esq = jnp.sum(codebook * codebook, axis=1)[None, :]
    idx = _nearest_idx(flat, x_sq, codebook, esq)
    idx = idx.reshape(_NW, _NCH, _CH)
    quant = _make_gather()(codebook, idx)
    return quant.reshape(B, T, D)

# --- scband reference (transcript-rebuilt; emitter-appended) ---
"""Pipeline reference for scband-vqema-78709570667394 (READ-ONLY COPY).

The authoritative reference and input builder live on the scoring server;
editing this copy changes nothing except your own understanding.
"""

import jax, jax.numpy as jnp
import numpy as np

EMBEDDING_DIM = 256
K = 8192

def setup_inputs(seed=0) -> dict:
    key = jax.random.key(seed)
    k1, k2 = jax.random.split(key)
    z = jax.random.normal(k1, (16, 1024, EMBEDDING_DIM), dtype=jnp.float32)
    codebook = jax.random.normal(k2, (K, EMBEDDING_DIM), dtype=jnp.float32)
    return {"z": z, "codebook": codebook}

def reference(z, codebook):
    # VQ-EMA forward: nearest-codebook quantization with straight-through estimator.
    B, T, D = z.shape
    flat = z.reshape(-1, D)                                  # [N, D]
    # Squared L2 distances: ||x||^2 - 2 x.e + ||e||^2
    x_sq = jnp.sum(flat * flat, axis=1, keepdims=True)       # [N, 1]
    e_sq = jnp.sum(codebook * codebook, axis=1)              # [K]
    dots = flat @ codebook.T                                 # [N, K]  (compute hotspot)
    dists = x_sq - 2.0 * dots + e_sq[None, :]                # [N, K]
    idx = jnp.argmin(dists, axis=1)                          # [N]
    quantized = jnp.take(codebook, idx, axis=0).reshape(B, T, D)
    # Straight-through: gradients flow to z, codebook updated via EMA (no grad)
    z_q = z + jax.lax.stop_gradient(quantized - z)
    return z_q

if __name__ == "__main__":
    import jax
    _d = setup_inputs()
    print(jax.jit(kernel)(*tuple(_d.values())))

</pallas_src>

<mosaic_0001>
#map = affine_map<(d0, d1) -> (0, 0)>
#map1 = affine_map<(d0, d1) -> (0, 0, 0)>
module attributes {stable_mosaic.version = 14 : i64} {
  func.func @gather_k(%arg0: i32, %arg1: i32, %arg2: memref<8192x256xf32, #tpu.memory_space<hbm>>, %arg3: memref<32x4x128xi32, #tpu.memory_space<hbm>>, %arg4: memref<16384x256xf32, #tpu.memory_space<hbm>>, %arg5: memref<4x128xi32, #tpu.memory_space<vmem>>, %arg6: memref<128x256xf32, #tpu.memory_space<vmem>>, %arg7: memref<!tpu.dma_semaphore, #tpu.memory_space<semaphore_mem>>) attributes {dimension_semantics = [#tpu.dimension_semantics<core_parallel>, #tpu.dimension_semantics<subcore_parallel>], iteration_bounds = array<i64: 2, 16>, scalar_prefetch = 0 : i64, scratch_operands = 3 : i64, tpu.core_type = #tpu.core_type<sc_vector_subcore>, window_params = [{transform_indices = #map}, {transform_indices = #map1}, {transform_indices = #map}]} {
    %mul3A = arith.constant 2 : i32
    %mul3A_0 = arith.muli %arg1, %mul3A : i32
    %add3A = arith.addi %mul3A_0, %arg0 : i32
    %mul3A_1 = arith.constant 512 : i32
    %mul3A_2 = arith.muli %add3A, %mul3A_1 : i32
    "tpu.region"() ({
      %run_scoped3A = tpu.sem_alloc : memref<!tpu.dma_semaphore, #tpu.memory_space<semaphore_mem>>
      %dma_start3A_65 = arith.constant 0 : i32
      %dma_start3A_66 = arith.constant 0 : i32
      %dma_start3A_67 = tpu.memref_slice %arg3[%add3A, %dma_start3A_65, %dma_start3A_66] : memref<32x4x128xi32, #tpu.memory_space<hbm>> -> memref<1x4x128xi32, #tpu.memory_space<hbm>>
      %dma_start3A_68 = tpu.memref_squeeze %dma_start3A_67 : memref<1x4x128xi32, #tpu.memory_space<hbm>> -> memref<4x128xi32, #tpu.memory_space<hbm>>
      %dma_start3A_69 = arith.constant 0 : i32
      %dma_start3A_70 = arith.constant 0 : i32
      %dma_start3A_71 = tpu.memref_slice %arg3[%add3A, %dma_start3A_69, %dma_start3A_70] : memref<32x4x128xi32, #tpu.memory_space<hbm>> -> memref<1x4x128xi32, #tpu.memory_space<hbm>>
      %dma_start3A_72 = tpu.memref_squeeze %dma_start3A_71 : memref<1x4x128xi32, #tpu.memory_space<hbm>> -> memref<4x128xi32, #tpu.memory_space<hbm>>
      tpu.enqueue_dma source(%dma_start3A_72 : memref<4x128xi32, #tpu.memory_space<hbm>>) target(%arg5 : memref<4x128xi32, #tpu.memory_space<vmem>>) target_semaphore(%run_scoped3A : memref<!tpu.dma_semaphore, #tpu.memory_space<semaphore_mem>>)
      %dma_wait3A_73 = arith.constant 0 : i32
      %dma_wait3A_74 = arith.constant 0 : i32
      %dma_wait3A_75 = tpu.memref_slice %arg3[%add3A, %dma_wait3A_73, %dma_wait3A_74] : memref<32x4x128xi32, #tpu.memory_space<hbm>> -> memref<1x4x128xi32, #tpu.memory_space<hbm>>
      %dma_wait3A_76 = tpu.memref_squeeze %dma_wait3A_75 : memref<1x4x128xi32, #tpu.memory_space<hbm>> -> memref<4x128xi32, #tpu.memory_space<hbm>>
      %dma_wait3A_77 = arith.constant 0 : i32
      %dma_wait3A_78 = arith.constant 0 : i32
      %dma_wait3A_79 = tpu.memref_slice %arg3[%add3A, %dma_wait3A_77, %dma_wait3A_78] : memref<32x4x128xi32, #tpu.memory_space<hbm>> -> memref<1x4x128xi32, #tpu.memory_space<hbm>>
      %dma_wait3A_80 = tpu.memref_squeeze %dma_wait3A_79 : memref<1x4x128xi32, #tpu.memory_space<hbm>> -> memref<4x128xi32, #tpu.memory_space<hbm>>
      tpu.wait_dma2 semaphore(%run_scoped3A : memref<!tpu.dma_semaphore, #tpu.memory_space<semaphore_mem>>) src(%dma_wait3A_80 : memref<4x128xi32, #tpu.memory_space<hbm>>) dst(%arg5 : memref<4x128xi32, #tpu.memory_space<vmem>>)
      tpu.yield
    }) : () -> ()
    %dma_start3A = arith.constant 0 : i32
    %dma_start3A_3 = arith.constant 0 : i32
    %dma_start3A_4 = tpu.memref_slice %arg5[%dma_start3A, %dma_start3A_3] : memref<4x128xi32, #tpu.memory_space<vmem>> -> memref<1x128xi32, #tpu.memory_space<vmem>>
    %dma_start3A_5 = tpu.memref_squeeze %dma_start3A_4 : memref<1x128xi32, #tpu.memory_space<vmem>> -> memref<128xi32, #tpu.memory_space<vmem>>
    %dma_start3A_6 = arith.constant 0 : i32
    %dma_start3A_7 = arith.constant 0 : i32
    %dma_start3A_8 = tpu.memref_slice %arg2[%dma_start3A_6, %dma_start3A_7] : memref<8192x256xf32, #tpu.memory_space<hbm>> -> memref<8192x256xf32, #tpu.memory_space<hbm>>
    tpu.enqueue_indirect_dma source(%dma_start3A_8 : memref<8192x256xf32, #tpu.memory_space<hbm>>) target(%arg6 : memref<128x256xf32, #tpu.memory_space<vmem>>) offsets(%dma_start3A_5 : memref<128xi32, #tpu.memory_space<vmem>>) semaphore(%arg7 : memref<!tpu.dma_semaphore, #tpu.memory_space<semaphore_mem>>)
    %dma_wait3A = arith.constant 0 : i32
    %dma_wait3A_9 = arith.constant 0 : i32
    %dma_wait3A_10 = tpu.memref_slice %arg5[%dma_wait3A, %dma_wait3A_9] : memref<4x128xi32, #tpu.memory_space<vmem>> -> memref<1x128xi32, #tpu.memory_space<vmem>>
    %dma_wait3A_11 = tpu.memref_squeeze %dma_wait3A_10 : memref<1x128xi32, #tpu.memory_space<vmem>> -> memref<128xi32, #tpu.memory_space<vmem>>
    %dma_wait3A_12 = arith.constant 0 : i32
    %dma_wait3A_13 = arith.constant 0 : i32
    %dma_wait3A_14 = tpu.memref_slice %arg2[%dma_wait3A_12, %dma_wait3A_13] : memref<8192x256xf32, #tpu.memory_space<hbm>> -> memref<8192x256xf32, #tpu.memory_space<hbm>>
    tpu.wait_indirect_dma semaphore(%arg7 : memref<!tpu.dma_semaphore, #tpu.memory_space<semaphore_mem>>) src(%dma_wait3A_14 : memref<8192x256xf32, #tpu.memory_space<hbm>>) dst(%arg6 : memref<128x256xf32, #tpu.memory_space<vmem>>)
    %add3A_15 = arith.constant 0 : i32
    %add3A_16 = arith.addi %mul3A_2, %add3A_15 : i32
    "tpu.region"() ({
      %run_scoped3A = tpu.sem_alloc : memref<!tpu.dma_semaphore, #tpu.memory_space<semaphore_mem>>
      %dma_start3A_65 = arith.constant 0 : i32
      %dma_start3A_66 = tpu.memref_slice %arg4[%add3A_16, %dma_start3A_65] : memref<16384x256xf32, #tpu.memory_space<hbm>> -> memref<128x256xf32, #tpu.memory_space<hbm>>
      %dma_start3A_67 = arith.constant 0 : i32
      %dma_start3A_68 = tpu.memref_slice %arg4[%add3A_16, %dma_start3A_67] : memref<16384x256xf32, #tpu.memory_space<hbm>> -> memref<128x256xf32, #tpu.memory_space<hbm>>
      tpu.enqueue_dma source(%arg6 : memref<128x256xf32, #tpu.memory_space<vmem>>) target(%dma_start3A_68 : memref<128x256xf32, #tpu.memory_space<hbm>>) target_semaphore(%run_scoped3A : memref<!tpu.dma_semaphore, #tpu.memory_space<semaphore_mem>>)
      %dma_wait3A_69 = arith.constant 0 : i32
      %dma_wait3A_70 = tpu.memref_slice %arg4[%add3A_16, %dma_wait3A_69] : memref<16384x256xf32, #tpu.memory_space<hbm>> -> memref<128x256xf32, #tpu.memory_space<hbm>>
      %dma_wait3A_71 = arith.constant 0 : i32
      %dma_wait3A_72 = tpu.memref_slice %arg4[%add3A_16, %dma_wait3A_71] : memref<16384x256xf32, #tpu.memory_space<hbm>> -> memref<128x256xf32, #tpu.memory_space<hbm>>
      tpu.wait_dma2 semaphore(%run_scoped3A : memref<!tpu.dma_semaphore, #tpu.memory_space<semaphore_mem>>) src(%arg6 : memref<128x256xf32, #tpu.memory_space<vmem>>) dst(%dma_wait3A_72 : memref<128x256xf32, #tpu.memory_space<hbm>>)
      tpu.yield
    }) : () -> ()
    %dma_start3A_17 = arith.constant 1 : i32
    %dma_start3A_18 = arith.constant 0 : i32
    %dma_start3A_19 = tpu.memref_slice %arg5[%dma_start3A_17, %dma_start3A_18] : memref<4x128xi32, #tpu.memory_space<vmem>> -> memref<1x128xi32, #tpu.memory_space<vmem>>
    %dma_start3A_20 = tpu.memref_squeeze %dma_start3A_19 : memref<1x128xi32, #tpu.memory_space<vmem>> -> memref<128xi32, #tpu.memory_space<vmem>>
    %dma_start3A_21 = arith.constant 0 : i32
    %dma_start3A_22 = arith.constant 0 : i32
    %dma_start3A_23 = tpu.memref_slice %arg2[%dma_start3A_21, %dma_start3A_22] : memref<8192x256xf32, #tpu.memory_space<hbm>> -> memref<8192x256xf32, #tpu.memory_space<hbm>>
    tpu.enqueue_indirect_dma source(%dma_start3A_23 : memref<8192x256xf32, #tpu.memory_space<hbm>>) target(%arg6 : memref<128x256xf32, #tpu.memory_space<vmem>>) offsets(%dma_start3A_20 : memref<128xi32, #tpu.memory_space<vmem>>) semaphore(%arg7 : memref<!tpu.dma_semaphore, #tpu.memory_space<semaphore_mem>>)
    %dma_wait3A_24 = arith.constant 1 : i32
    %dma_wait3A_25 = arith.constant 0 : i32
    %dma_wait3A_26 = tpu.memref_slice %arg5[%dma_wait3A_24, %dma_wait3A_25] : memref<4x128xi32, #tpu.memory_space<vmem>> -> memref<1x128xi32, #tpu.memory_space<vmem>>
    %dma_wait3A_27 = tpu.memref_squeeze %dma_wait3A_26 : memref<1x128xi32, #tpu.memory_space<vmem>> -> memref<128xi32, #tpu.memory_space<vmem>>
    %dma_wait3A_28 = arith.constant 0 : i32
    %dma_wait3A_29 = arith.constant 0 : i32
    %dma_wait3A_30 = tpu.memref_slice %arg2[%dma_wait3A_28, %dma_wait3A_29] : memref<8192x256xf32, #tpu.memory_space<hbm>> -> memref<8192x256xf32, #tpu.memory_space<hbm>>
    tpu.wait_indirect_dma semaphore(%arg7 : memref<!tpu.dma_semaphore, #tpu.memory_space<semaphore_mem>>) src(%dma_wait3A_30 : memref<8192x256xf32, #tpu.memory_space<hbm>>) dst(%arg6 : memref<128x256xf32, #tpu.memory_space<vmem>>)
    %add3A_31 = arith.constant 128 : i32
    %add3A_32 = arith.addi %mul3A_2, %add3A_31 : i32
    "tpu.region"() ({
      %run_scoped3A = tpu.sem_alloc : memref<!tpu.dma_semaphore, #tpu.memory_space<semaphore_mem>>
      %dma_start3A_65 = arith.constant 0 : i32
      %dma_start3A_66 = tpu.memref_slice %arg4[%add3A_32, %dma_start3A_65] : memref<16384x256xf32, #tpu.memory_space<hbm>> -> memref<128x256xf32, #tpu.memory_space<hbm>>
      %dma_start3A_67 = arith.constant 0 : i32
      %dma_start3A_68 = tpu.memref_slice %arg4[%add3A_32, %dma_start3A_67] : memref<16384x256xf32, #tpu.memory_space<hbm>> -> memref<128x256xf32, #tpu.memory_space<hbm>>
      tpu.enqueue_dma source(%arg6 : memref<128x256xf32, #tpu.memory_space<vmem>>) target(%dma_start3A_68 : memref<128x256xf32, #tpu.memory_space<hbm>>) target_semaphore(%run_scoped3A : memref<!tpu.dma_semaphore, #tpu.memory_space<semaphore_mem>>)
      %dma_wait3A_69 = arith.constant 0 : i32
      %dma_wait3A_70 = tpu.memref_slice %arg4[%add3A_32, %dma_wait3A_69] : memref<16384x256xf32, #tpu.memory_space<hbm>> -> memref<128x256xf32, #tpu.memory_space<hbm>>
      %dma_wait3A_71 = arith.constant 0 : i32
      %dma_wait3A_72 = tpu.memref_slice %arg4[%add3A_32, %dma_wait3A_71] : memref<16384x256xf32, #tpu.memory_space<hbm>> -> memref<128x256xf32, #tpu.memory_space<hbm>>
      tpu.wait_dma2 semaphore(%run_scoped3A : memref<!tpu.dma_semaphore, #tpu.memory_space<semaphore_mem>>) src(%arg6 : memref<128x256xf32, #tpu.memory_space<vmem>>) dst(%dma_wait3A_72 : memref<128x256xf32, #tpu.memory_space<hbm>>)
      tpu.yield
    }) : () -> ()
    %dma_start3A_33 = arith.constant 2 : i32
    %dma_start3A_34 = arith.constant 0 : i32
    %dma_start3A_35 = tpu.memref_slice %arg5[%dma_start3A_33, %dma_start3A_34] : memref<4x128xi32, #tpu.memory_space<vmem>> -> memref<1x128xi32, #tpu.memory_space<vmem>>
    %dma_start3A_36 = tpu.memref_squeeze %dma_start3A_35 : memref<1x128xi32, #tpu.memory_space<vmem>> -> memref<128xi32, #tpu.memory_space<vmem>>
    %dma_start3A_37 = arith.constant 0 : i32
    %dma_start3A_38 = arith.constant 0 : i32
    %dma_start3A_39 = tpu.memref_slice %arg2[%dma_start3A_37, %dma_start3A_38] : memref<8192x256xf32, #tpu.memory_space<hbm>> -> memref<8192x256xf32, #tpu.memory_space<hbm>>
    tpu.enqueue_indirect_dma source(%dma_start3A_39 : memref<8192x256xf32, #tpu.memory_space<hbm>>) target(%arg6 : memref<128x256xf32, #tpu.memory_space<vmem>>) offsets(%dma_start3A_36 : memref<128xi32, #tpu.memory_space<vmem>>) semaphore(%arg7 : memref<!tpu.dma_semaphore, #tpu.memory_space<semaphore_mem>>)
    %dma_wait3A_40 = arith.constant 2 : i32
    %dma_wait3A_41 = arith.constant 0 : i32
    %dma_wait3A_42 = tpu.memref_slice %arg5[%dma_wait3A_40, %dma_wait3A_41] : memref<4x128xi32, #tpu.memory_space<vmem>> -> memref<1x128xi32, #tpu.memory_space<vmem>>
    %dma_wait3A_43 = tpu.memref_squeeze %dma_wait3A_42 : memref<1x128xi32, #tpu.memory_space<vmem>> -> memref<128xi32, #tpu.memory_space<vmem>>
    %dma_wait3A_44 = arith.constant 0 : i32
    %dma_wait3A_45 = arith.constant 0 : i32
    %dma_wait3A_46 = tpu.memref_slice %arg2[%dma_wait3A_44, %dma_wait3A_45] : memref<8192x256xf32, #tpu.memory_space<hbm>> -> memref<8192x256xf32, #tpu.memory_space<hbm>>
    tpu.wait_indirect_dma semaphore(%arg7 : memref<!tpu.dma_semaphore, #tpu.memory_space<semaphore_mem>>) src(%dma_wait3A_46 : memref<8192x256xf32, #tpu.memory_space<hbm>>) dst(%arg6 : memref<128x256xf32, #tpu.memory_space<vmem>>)
    %add3A_47 = arith.constant 256 : i32
    %add3A_48 = arith.addi %mul3A_2, %add3A_47 : i32
    "tpu.region"() ({
      %run_scoped3A = tpu.sem_alloc : memref<!tpu.dma_semaphore, #tpu.memory_space<semaphore_mem>>
      %dma_start3A_65 = arith.constant 0 : i32
      %dma_start3A_66 = tpu.memref_slice %arg4[%add3A_48, %dma_start3A_65] : memref<16384x256xf32, #tpu.memory_space<hbm>> -> memref<128x256xf32, #tpu.memory_space<hbm>>
      %dma_start3A_67 = arith.constant 0 : i32
      %dma_start3A_68 = tpu.memref_slice %arg4[%add3A_48, %dma_start3A_67] : memref<16384x256xf32, #tpu.memory_space<hbm>> -> memref<128x256xf32, #tpu.memory_space<hbm>>
      tpu.enqueue_dma source(%arg6 : memref<128x256xf32, #tpu.memory_space<vmem>>) target(%dma_start3A_68 : memref<128x256xf32, #tpu.memory_space<hbm>>) target_semaphore(%run_scoped3A : memref<!tpu.dma_semaphore, #tpu.memory_space<semaphore_mem>>)
      %dma_wait3A_69 = arith.constant 0 : i32
      %dma_wait3A_70 = tpu.memref_slice %arg4[%add3A_48, %dma_wait3A_69] : memref<16384x256xf32, #tpu.memory_space<hbm>> -> memref<128x256xf32, #tpu.memory_space<hbm>>
      %dma_wait3A_71 = arith.constant 0 : i32
      %dma_wait3A_72 = tpu.memref_slice %arg4[%add3A_48, %dma_wait3A_71] : memref<16384x256xf32, #tpu.memory_space<hbm>> -> memref<128x256xf32, #tpu.memory_space<hbm>>
      tpu.wait_dma2 semaphore(%run_scoped3A : memref<!tpu.dma_semaphore, #tpu.memory_space<semaphore_mem>>) src(%arg6 : memref<128x256xf32, #tpu.memory_space<vmem>>) dst(%dma_wait3A_72 : memref<128x256xf32, #tpu.memory_space<hbm>>)
      tpu.yield
    }) : () -> ()
    %dma_start3A_49 = arith.constant 3 : i32
    %dma_start3A_50 = arith.constant 0 : i32
    %dma_start3A_51 = tpu.memref_slice %arg5[%dma_start3A_49, %dma_start3A_50] : memref<4x128xi32, #tpu.memory_space<vmem>> -> memref<1x128xi32, #tpu.memory_space<vmem>>
    %dma_start3A_52 = tpu.memref_squeeze %dma_start3A_51 : memref<1x128xi32, #tpu.memory_space<vmem>> -> memref<128xi32, #tpu.memory_space<vmem>>
    %dma_start3A_53 = arith.constant 0 : i32
    %dma_start3A_54 = arith.constant 0 : i32
    %dma_start3A_55 = tpu.memref_slice %arg2[%dma_start3A_53, %dma_start3A_54] : memref<8192x256xf32, #tpu.memory_space<hbm>> -> memref<8192x256xf32, #tpu.memory_space<hbm>>
    tpu.enqueue_indirect_dma source(%dma_start3A_55 : memref<8192x256xf32, #tpu.memory_space<hbm>>) target(%arg6 : memref<128x256xf32, #tpu.memory_space<vmem>>) offsets(%dma_start3A_52 : memref<128xi32, #tpu.memory_space<vmem>>) semaphore(%arg7 : memref<!tpu.dma_semaphore, #tpu.memory_space<semaphore_mem>>)
    %dma_wait3A_56 = arith.constant 3 : i32
    %dma_wait3A_57 = arith.constant 0 : i32
    %dma_wait3A_58 = tpu.memref_slice %arg5[%dma_wait3A_56, %dma_wait3A_57] : memref<4x128xi32, #tpu.memory_space<vmem>> -> memref<1x128xi32, #tpu.memory_space<vmem>>
    %dma_wait3A_59 = tpu.memref_squeeze %dma_wait3A_58 : memref<1x128xi32, #tpu.memory_space<vmem>> -> memref<128xi32, #tpu.memory_space<vmem>>
    %dma_wait3A_60 = arith.constant 0 : i32
    %dma_wait3A_61 = arith.constant 0 : i32
    %dma_wait3A_62 = tpu.memref_slice %arg2[%dma_wait3A_60, %dma_wait3A_61] : memref<8192x256xf32, #tpu.memory_space<hbm>> -> memref<8192x256xf32, #tpu.memory_space<hbm>>
    tpu.wait_indirect_dma semaphore(%arg7 : memref<!tpu.dma_semaphore, #tpu.memory_space<semaphore_mem>>) src(%dma_wait3A_62 : memref<8192x256xf32, #tpu.memory_space<hbm>>) dst(%arg6 : memref<128x256xf32, #tpu.memory_space<vmem>>)
    %add3A_63 = arith.constant 384 : i32
    %add3A_64 = arith.addi %mul3A_2, %add3A_63 : i32
    "tpu.region"() ({
      %run_scoped3A = tpu.sem_alloc : memref<!tpu.dma_semaphore, #tpu.memory_space<semaphore_mem>>
      %dma_start3A_65 = arith.constant 0 : i32
      %dma_start3A_66 = tpu.memref_slice %arg4[%add3A_64, %dma_start3A_65] : memref<16384x256xf32, #tpu.memory_space<hbm>> -> memref<128x256xf32, #tpu.memory_space<hbm>>
      %dma_start3A_67 = arith.constant 0 : i32
      %dma_start3A_68 = tpu.memref_slice %arg4[%add3A_64, %dma_start3A_67] : memref<16384x256xf32, #tpu.memory_space<hbm>> -> memref<128x256xf32, #tpu.memory_space<hbm>>
      tpu.enqueue_dma source(%arg6 : memref<128x256xf32, #tpu.memory_space<vmem>>) target(%dma_start3A_68 : memref<128x256xf32, #tpu.memory_space<hbm>>) target_semaphore(%run_scoped3A : memref<!tpu.dma_semaphore, #tpu.memory_space<semaphore_mem>>)
      %dma_wait3A_69 = arith.constant 0 : i32
      %dma_wait3A_70 = tpu.memref_slice %arg4[%add3A_64, %dma_wait3A_69] : memref<16384x256xf32, #tpu.memory_space<hbm>> -> memref<128x256xf32, #tpu.memory_space<hbm>>
      %dma_wait3A_71 = arith.constant 0 : i32
      %dma_wait3A_72 = tpu.memref_slice %arg4[%add3A_64, %dma_wait3A_71] : memref<16384x256xf32, #tpu.memory_space<hbm>> -> memref<128x256xf32, #tpu.memory_space<hbm>>
      tpu.wait_dma2 semaphore(%run_scoped3A : memref<!tpu.dma_semaphore, #tpu.memory_space<semaphore_mem>>) src(%arg6 : memref<128x256xf32, #tpu.memory_space<vmem>>) dst(%dma_wait3A_72 : memref<128x256xf32, #tpu.memory_space<hbm>>)
      tpu.yield
    }) : () -> ()
    return
  }
}

module attributes {stable_mosaic.version = 14 : i64} {
  func.func @_argmin_body(%arg0: i32, %arg1: memref<128x256xf32, #tpu.memory_space<vmem>>, %arg2: memref<128x1xf32, #tpu.memory_space<vmem>>, %arg3: memref<8192x256xf32, #tpu.memory_space<vmem>>, %arg4: memref<1x8192xf32, #tpu.memory_space<vmem>>, %arg5: memref<3x8192xf32, #tpu.memory_space<vmem>>, %arg6: memref<128x1xi32, #tpu.memory_space<vmem>>) attributes {dimension_semantics = [#tpu.dimension_semantics<arbitrary>], iteration_bounds = array<i64: 128>, scalar_prefetch = 0 : i64, scratch_operands = 0 : i64, tpu.core_type = #tpu.core_type<tc>, window_params = [{transform_indices = @transform_0, window_bounds = array<i64: 128, 256>}, {transform_indices = @transform_1, window_bounds = array<i64: 128, 1>}, {pipeline_mode = #tpu.pipeline_mode<synchronous>, transform_indices = @transform_2, window_bounds = array<i64: 8192, 256>}, {pipeline_mode = #tpu.pipeline_mode<synchronous>, transform_indices = @transform_3, window_bounds = array<i64: 1, 8192>}, {pipeline_mode = #tpu.pipeline_mode<synchronous>, transform_indices = @transform_4, window_bounds = array<i64: 3, 8192>}, {transform_indices = @transform_5, window_bounds = array<i64: 128, 1>}]} {
    %get3A = arith.constant 0 : index
    %get3A_0 = arith.constant 0 : index
    %get3A_1 = vector.load %arg1[%get3A, %get3A_0] : memref<128x256xf32, #tpu.memory_space<vmem>>, vector<128x256xf32>
    %convert_element_type3A = arith.truncf %get3A_1 : vector<128x256xf32> to vector<128x256xbf16>
    %get3A_2 = arith.constant 0 : index
    %get3A_3 = arith.constant 0 : index
    %get3A_4 = vector.load %arg3[%get3A_2, %get3A_3] : memref<8192x256xf32, #tpu.memory_space<vmem>>, vector<8192x256xf32>
    %convert_element_type3A_5 = arith.truncf %get3A_4 : vector<8192x256xf32> to vector<8192x256xbf16>
    %dot_general3A = arith.constant dense<0.000000e+00> : vector<128x8192xf32>
    %dot_general3A_6 = tpu.matmul %convert_element_type3A, %convert_element_type3A_5, %dot_general3A {dimension_numbers = #tpu.dot_dimension_numbers<[1], [1], [0], [0], [0, 0, 1, 0], [], []>, transpose_lhs_hint = false} : vector<128x256xbf16>, vector<8192x256xbf16>, vector<128x8192xf32> -> vector<128x8192xf32>
    %get3A_7 = arith.constant 0 : index
    %get3A_8 = arith.constant 0 : index
    %get3A_9 = vector.load %arg2[%get3A_7, %get3A_8] : memref<128x1xf32, #tpu.memory_space<vmem>>, vector<128x1xf32>
    %mul3A = arith.constant 2.000000e+00 : f32
    %mul3A_10 = vector.broadcast %mul3A : f32 to vector<128x8192xf32>
    %mul3A_11 = arith.mulf %mul3A_10, %dot_general3A_6 : vector<128x8192xf32>
    %sub3A = vector.broadcast %get3A_9 : vector<128x1xf32> to vector<128x8192xf32>
    %sub3A_12 = arith.subf %sub3A, %mul3A_11 : vector<128x8192xf32>
    %get3A_13 = arith.constant 0 : index
    %get3A_14 = arith.constant 0 : index
    %get3A_15 = vector.load %arg4[%get3A_13, %get3A_14] : memref<1x8192xf32, #tpu.memory_space<vmem>>, vector<1x8192xf32>
    %add3A = vector.broadcast %get3A_15 : vector<1x8192xf32> to vector<128x8192xf32>
    %add3A_16 = arith.addf %sub3A_12, %add3A : vector<128x8192xf32>
    %broadcast_in_dim3A = arith.constant 0x7F800000 : f32
    %broadcast_in_dim3A_17 = vector.broadcast %broadcast_in_dim3A : f32 to vector<128xf32>
    %broadcast_in_dim3A_18 = arith.constant 0 : i32
    %broadcast_in_dim3A_19 = vector.broadcast %broadcast_in_dim3A_18 : i32 to vector<128xi32>
    %get3A_20 = arith.constant 0 : index
    %get3A_21 = arith.constant 0 : index
    %get3A_22 = vector.load %arg5[%get3A_20, %get3A_21] : memref<3x8192xf32, #tpu.memory_space<vmem>>, vector<1x8192xf32>
    %get3A_23 = vector.shape_cast %get3A_22 : vector<1x8192xf32> to vector<8192xf32>
    %broadcast_in_dim3A_24 = vector.shape_cast %get3A_23 : vector<8192xf32> to vector<1x8192xf32>
    %add3A_25 = vector.broadcast %broadcast_in_dim3A_24 : vector<1x8192xf32> to vector<128x8192xf32>
    %add3A_26 = arith.addf %add3A_16, %add3A_25 : vector<128x8192xf32>
    %reduce_min3A = arith.constant dense<0x7F800000> : vector<128xf32>
    %reduce_min3A_27 = vector.multi_reduction <minimumf>, %add3A_26, %reduce_min3A [1] : vector<128x8192xf32> to vector<128xf32>
    %argmin3A = tpu.reduce_index %add3A_26 {axis = 1 : i32, kind = #tpu.reduction_kind<arg_min>} : vector<128x8192xf32> -> vector<128xi32>
    %lt3A = arith.cmpf olt, %reduce_min3A_27, %broadcast_in_dim3A_17 : vector<128xf32>
    %select_n3A = arith.select %lt3A, %argmin3A, %broadcast_in_dim3A_19 : vector<128xi1>, vector<128xi32>
    %select_n3A_28 = arith.select %lt3A, %reduce_min3A_27, %broadcast_in_dim3A_17 : vector<128xi1>, vector<128xf32>
    %convert_element_type3A_29 = arith.truncf %select_n3A_28 : vector<128xf32> to vector<128xbf16>
    %convert_element_type3A_30 = arith.extf %convert_element_type3A_29 : vector<128xbf16> to vector<128xf32>
    %get3A_31 = arith.constant 1 : index
    %get3A_32 = arith.constant 0 : index
    %get3A_33 = vector.load %arg5[%get3A_31, %get3A_32] : memref<3x8192xf32, #tpu.memory_space<vmem>>, vector<1x8192xf32>
    %get3A_34 = vector.shape_cast %get3A_33 : vector<1x8192xf32> to vector<8192xf32>
    %broadcast_in_dim3A_35 = vector.shape_cast %get3A_34 : vector<8192xf32> to vector<1x8192xf32>
    %add3A_36 = vector.broadcast %broadcast_in_dim3A_35 : vector<1x8192xf32> to vector<128x8192xf32>
    %add3A_37 = arith.addf %add3A_16, %add3A_36 : vector<128x8192xf32>
    %reduce_min3A_38 = arith.constant dense<0x7F800000> : vector<128xf32>
    %reduce_min3A_39 = vector.multi_reduction <minimumf>, %add3A_37, %reduce_min3A_38 [1] : vector<128x8192xf32> to vector<128xf32>
    %argmin3A_40 = tpu.reduce_index %add3A_37 {axis = 1 : i32, kind = #tpu.reduction_kind<arg_min>} : vector<128x8192xf32> -> vector<128xi32>
    %lt3A_41 = arith.cmpf olt, %reduce_min3A_39, %convert_element_type3A_30 : vector<128xf32>
    %select_n3A_42 = arith.select %lt3A_41, %argmin3A_40, %select_n3A : vector<128xi1>, vector<128xi32>
    %select_n3A_43 = arith.select %lt3A_41, %reduce_min3A_39, %convert_element_type3A_30 : vector<128xi1>, vector<128xf32>
    %convert_element_type3A_44 = arith.truncf %select_n3A_43 : vector<128xf32> to vector<128xbf16>
    %convert_element_type3A_45 = arith.extf %convert_element_type3A_44 : vector<128xbf16> to vector<128xf32>
    %get3A_46 = arith.constant 2 : index
    %get3A_47 = arith.constant 0 : index
    %get3A_48 = vector.load %arg5[%get3A_46, %get3A_47] : memref<3x8192xf32, #tpu.memory_space<vmem>>, vector<1x8192xf32>
    %get3A_49 = vector.shape_cast %get3A_48 : vector<1x8192xf32> to vector<8192xf32>
    %broadcast_in_dim3A_50 = vector.shape_cast %get3A_49 : vector<8192xf32> to vector<1x8192xf32>
    %add3A_51 = vector.broadcast %broadcast_in_dim3A_50 : vector<1x8192xf32> to vector<128x8192xf32>
    %add3A_52 = arith.addf %add3A_16, %add3A_51 : vector<128x8192xf32>
    %reduce_min3A_53 = arith.constant dense<0x7F800000> : vector<128xf32>
    %reduce_min3A_54 = vector.multi_reduction <minimumf>, %add3A_52, %reduce_min3A_53 [1] : vector<128x8192xf32> to vector<128xf32>
    %argmin3A_55 = tpu.reduce_index %add3A_52 {axis = 1 : i32, kind = #tpu.reduction_kind<arg_min>} : vector<128x8192xf32> -> vector<128xi32>
    %lt3A_56 = arith.cmpf olt, %reduce_min3A_54, %convert_element_type3A_45 : vector<128xf32>
    %select_n3A_57 = arith.select %lt3A_56, %argmin3A_55, %select_n3A_42 : vector<128xi1>, vector<128xi32>
    %broadcast_in_dim3A_58 = vector.shape_cast %select_n3A_57 : vector<128xi32> to vector<128x1xi32>
    %swap3A = arith.constant 0 : index
    %swap3A_59 = arith.constant 0 : index
    %swap3A_60 = vector.load %arg6[%swap3A, %swap3A_59] : memref<128x1xi32, #tpu.memory_space<vmem>>, vector<128x1xi32>
    tpu.vector_store %arg6[%swap3A, %swap3A_59], %broadcast_in_dim3A_58 {strides = array<i32>} : memref<128x1xi32, #tpu.memory_space<vmem>>, vector<128x1xi32>,
    return
  }
  func.func @transform_0(%arg0: i32) -> (i32, i32) {
    %c0_i32 = arith.constant 0 : i32
    %c0_i32_0 = arith.constant 0 : i32
    return %arg0, %c0_i32 : i32, i32
  }
  func.func @transform_1(%arg0: i32) -> (i32, i32) {
    %c0_i32 = arith.constant 0 : i32
    %c0_i32_0 = arith.constant 0 : i32
    return %arg0, %c0_i32 : i32, i32
  }
  func.func @transform_2(%arg0: i32) -> (i32, i32) {
    %c0_i32 = arith.constant 0 : i32
    %c0_i32_0 = arith.constant 0 : i32
    %c0_i32_1 = arith.constant 0 : i32
    return %c0_i32, %c0_i32_0 : i32, i32
  }
  func.func @transform_3(%arg0: i32) -> (i32, i32) {
    %c0_i32 = arith.constant 0 : i32
    %c0_i32_0 = arith.constant 0 : i32
    %c0_i32_1 = arith.constant 0 : i32
    return %c0_i32, %c0_i32_0 : i32, i32
  }
  func.func @transform_4(%arg0: i32) -> (i32, i32) {
    %c0_i32 = arith.constant 0 : i32
    %c0_i32_0 = arith.constant 0 : i32
    %c0_i32_1 = arith.constant 0 : i32
    return %c0_i32, %c0_i32_0 : i32, i32
  }
  func.func @transform_5(%arg0: i32) -> (i32, i32) {
    %c0_i32 = arith.constant 0 : i32
    %c0_i32_0 = arith.constant 0 : i32
    return %arg0, %c0_i32 : i32, i32
  }
}

</mosaic_0001>

<sc_bundles>
// kernel: kernel.4.cloned.1.call-start
scs
__scs_entry_jumppad:
0x0: {  	(pc) =	sbr.rel $0x88, $3  }
0x1: {  	(tag) =	ssettag $0x0;
	lr =	simm.s32 $0x1  }
0x2: {  	[smem:$0x3F9F] =	sst lr;
	_ =	strace $0xD0000000  }
0x3: {  	_ = 	snop  }
0x4: {  	_ = 	snop  }
0x5: {  	_ = 	snop  }
0x6: {  	_ = 	snop  }
0x7: {  	_ = 	snop  }
__scs_overlays_trampoline_lowered:
0x8: {  	[smem:$0x3FAE] =	sst s0  }
0x9: {  	[smem:$0x3FAF] =	sst s1  }
0xa: {  	[smem:$0x3FB0] =	sst s2  }
0xb: {  	[smem:$0x3FB1] =	sst s3  }
0xc: {  	[smem:$0x3FB2] =	sst s4  }
0xd: {  	[smem:$0x3FB3] =	sst s5  }
0xe: {  	[smem:$0x3FB4] =	sst s6  }
0xf: {  	[smem:$0x3FB5] =	sst s7  }
0x10: {  	[smem:$0x3FB6] =	sst s8  }
0x11: {  	[smem:$0x3FB7] =	sst s9;
	s0 =	simm.s32 @!p0 $0x0  }
0x12: {  	s1 =	sld [smem:$0x3F9D];
	s0 =	simm.s32 @p0 $0x1  }
0x13: {  	[smem:$0x3FB8] =	sst s0;
	s0 =	simm.s32 @!p1 $0x0  }
0x14: {  	s2 =	sld [smem:$0x3F9C];
	s0 =	simm.s32 @p1 $0x1  }
0x15: {  	[smem:$0x3FB9] =	sst s0;
	s0 =	simm.s32 @!p2 $0x0  }
0x16: {  	s3 =	sld [smem:$0x3FDB];
	s0 =	simm.s32 @p2 $0x1  }
0x17: {  	s4 =	simm.s32 $0x1BF5;
	[smem:$0x3FBB] =	sst s0  }
0x18: {  	s0 =	sld [smem:$0x3F9E];
	_ =	swait.ge [sflag:s4], $0x0  }
0x19: {  	s7 =	sld [smem:$0x3F9F]  }
0x1a: {  	s8 =	sadd.s32 $0xFFFFE003, lr  }
0x1b: {  	s9 =	sadd.s32 $0xFFFFFEF7, lr;
	s5 =	simm.s32 $0xFFFFFFFF;
	p2 =	slt.u32 s8, $0xFFFFF086  }
0x1c: {  	p1 =	slt.u32 s9, $0xF7A;
	s5 =	simm.s32 @!p2 $0x0  }
0x1d: {  	s5 =	simm.s32 @p1 $0x1;
	p0 =	seq.s32 s7, s2  }
0x1e: {  	s7 =	smul.u32 @!p0 $0xF7A, s2;
	p2 =	seq.s32 @!p0 s5, $0x0  }
0x1f: {  	s9 =	smul.u32 $0xF7A, s1;
	s8 =	simm.s32 @!p0 $0x1BF5;
	p2 =	por !p2, p0  }
0x20: {  	[sflag:s8] =	ssyncset.s32 @!p0 $0xFFFFF086;
	s6 =	sadd.s32 @!p0 s3, s7;
	s7 =	simm.s32 @!p0 $0x108  }
0x21: {  	s3 =	sadd.s32 s3, s9;
	s6 =	sadd.s32 @!p0 $0x88, s6;
	s7 =	simm.s32 @p2 $0x1082  }
0x22: {  	[simem:s7], [sflag:s8] =	dma.local @!p0 [hbm:s6], $0xF7A  }
0x23: {  	s9 =	sor.u32 $0xD0000000, s2;
	s6 =	simm.s32 $0x108;
	_ =	swait.ge @!p0 [sflag:s8], $0x0  }
0x24: {  	s3 =	sadd.s32 $0x88, s3;
	s6 =	simm.s32 @!p1 $0x1082;
	[sflag:s4] =	ssyncset.s32 $0xFFFFF086  }
0x25: {  	[simem:s6], [sflag:s4] =	dma.local [hbm:s3], $0xF7A  }
0x26: {  	[smem:$0x3F9F] =	sst s1;
	(tag) =	ssettag s2;
	_ =	strace s9  }
0x27: {  	s1 =	sld [smem:$0x3FAF]  }
0x28: {  	s2 =	sld [smem:$0x3FB0]  }
0x29: {  	s4 =	sld [smem:$0x3FB2]  }
0x2a: {  	p0 =	seq.s32 s5, $0x0;
	s5 =	sld [smem:$0x3FB3]  }
0x2b: {  	s6 =	sld [smem:$0x3FB4]  }
0x2c: {  	s7 =	sld [smem:$0x3FB5]  }
0x2d: {  	s3 =	simm.s32 $0x108;
	s8 =	sld [smem:$0x3FB6]  }
0x2e: {  	s3 =	simm.s32 @!p0 $0x1082;
	s9 =	sld [smem:$0x3FB7]  }
0x2f: {  	lr =	sadd.s32 s0, s3;
	s0 =	sld [smem:$0x3FAE]  }
0x30: {  	s3 =	sld [smem:$0x3FB1]  }
0x31: {  	[smem:$0x3FBA] =	sst s10  }
0x32: {  	s10 =	sld [smem:$0x3FB8];
	_ =	sdelay $0x3  }
0x33: {  	p0 =	seq.s32 s10, $0x1;
	s10 =	sld [smem:$0x3FBA];
	_ =	sdelay $0x3  }
0x34: {  	[smem:$0x3FBA] =	sst s10  }
0x35: {  	s10 =	sld [smem:$0x3FB9];
	_ =	sdelay $0x3  }
0x36: {  	p1 =	seq.s32 s10, $0x1;
	s10 =	sld [smem:$0x3FBA];
	_ =	sdelay $0x3  }
0x37: {  	[smem:$0x3FBA] =	sst s10  }
0x38: {  	s10 =	sld [smem:$0x3FBB]  }
0x39: {  	_ = 	snop;
	(pc) =	sbr.ind lr, $3  }
0x3a: {  	_ = 	snop  }
0x3b: {  	_ = 	snop  }
0x3c: {  	p2 =	seq.s32 s10, $0x1;
	s10 =	sld [smem:$0x3FBA]  }
0x3d: {  	_ =	shalt  }
0x3e: {  	_ =	shalt  }
0x3f: {  	_ =	shalt  }
0x40: {  	_ =	shalt  }
0x41: {  	_ =	shalt  }
0x42: {  	_ =	shalt  }
0x43: {  	_ =	shalt  }
0x44: {  	_ =	shalt  }
0x45: {  	_ =	shalt  }
0x46: {  	_ =	shalt  }
0x47: {  	_ =	shalt  }
0x48: {  	_ =	shalt  }
0x49: {  	_ =	shalt  }
0x4a: {  	_ =	shalt  }
0x4b: {  	_ =	shalt  }
0x4c: {  	_ =	shalt  }
0x4d: {  	_ =	shalt  }
0x4e: {  	_ =	shalt  }
0x4f: {  	_ =	shalt  }
0x50: {  	_ =	shalt  }
0x51: {  	_ =	shalt  }
0x52: {  	_ =	shalt  }
0x53: {  	_ =	shalt  }
0x54: {  	_ =	shalt  }
0x55: {  	_ =	shalt  }
0x56: {  	_ =	shalt  }
0x57: {  	_ =	shalt  }
0x58: {  	_ =	shalt  }
0x59: {  	_ =	shalt  }
0x5a: {  	_ =	shalt  }
0x5b: {  	_ =	shalt  }
0x5c: {  	_ =	shalt  }
0x5d: {  	_ =	shalt  }
0x5e: {  	_ =	shalt  }
0x5f: {  	_ =	shalt  }
0x60: {  	_ =	shalt  }
0x61: {  	_ =	shalt  }
0x62: {  	_ =	shalt  }
0x63: {  	_ =	shalt  }
0x64: {  	_ =	shalt  }
0x65: {  	_ =	shalt  }
0x66: {  	_ =	shalt  }
0x67: {  	_ =	shalt  }
0x68: {  	_ =	shalt  }
0x69: {  	_ =	shalt  }
0x6a: {  	_ =	shalt  }
0x6b: {  	_ =	shalt  }
0x6c: {  	_ =	shalt  }
0x6d: {  	_ =	shalt  }
0x6e: {  	_ =	shalt  }
0x6f: {  	_ =	shalt  }
0x70: {  	_ =	shalt  }
0x71: {  	_ =	shalt  }
0x72: {  	_ =	shalt  }
0x73: {  	_ =	shalt  }
0x74: {  	_ =	shalt  }
0x75: {  	_ =	shalt  }
0x76: {  	_ =	shalt  }
0x77: {  	_ =	shalt  }
0x78: {  	_ =	shalt  }
0x79: {  	_ =	shalt  }
0x7a: {  	_ =	shalt  }
0x7b: {  	_ =	shalt  }
0x7c: {  	_ =	shalt  }
0x7d: {  	_ =	shalt  }
0x7e: {  	_ =	shalt  }
0x7f: {  	_ =	shalt  }
0x80: {  	_ =	shalt  }
0x81: {  	_ =	shalt  }
0x82: {  	_ =	shalt  }
0x83: {  	_ =	shalt  }
0x84: {  	_ =	shalt  }
0x85: {  	_ =	shalt  }
0x86: {  	_ =	shalt  }
0x87: {  	_ =	shalt  }
.Lfunc_end0:
.L_simem_size_0:
called_computation_lowered:
.L_overlay_start_0:
0x88: {  	s2 =	sld [smem:$0x3FD9]  }
0x89: {  	s3 =	sld [smem:$0x3FFE];
	_ =	sdelay $0x1  }
0x8a: {  	s1 =	srdreg.scid  }
0x8b: {  	s0 =	sand.u32 $0x1, s1  }
0x8c: {  	s17 =	sshll.u32 s0, $0xA;
	s2 =	sadd.s32 s3, s2  }
0x8d: {  	s2 =	sadd.s32 s2, s17  }
0x8e: {  	[smem:$0x3FC6] =	sst s2  }
0x8f: {  	_ = 	snop  }
0x90: {  	s2 =	sld [smem:$0x3FC8]  }
0x91: {  	s18 =	sld [smem:$0x3FD0];
	(tm) =	ssettm $0x1  }
0x92: {  	s4 =	sld [smem:$0x3FFB];
	_ =	sdelay $0x3  }
0x93: {  	_ =	strace s4  }
0x94: {  	s4 =	sld [smem:$0x3FFC];
	_ =	sdelay $0x3  }
0x95: {  	_ =	strace s4  }
0x96: {  	s4 =	sld [smem:$0x3FFD];
	_ =	sdelay $0x3  }
0x97: {  	_ =	strace s4  }
0x98: {  	_ =	strace $0x8FFFFFFF  }
0x99: {  	s19 =	sld [smem:$0x3FDB];
	_ =	sdelay $0x1  }
0x9a: {  	s5 =	simm.s32 $_scs_section_size  }
0x9b: {  	s6 =	simm.s32 $_size__tile_overlayer_lowered;
	s7 =	simm.s32 $_tile_overlayer_lowered  }
0x9c: {  	s22 =	simm.s32 $0x1BFF;
	s21 =	sshll.u32 s7, $0x1;
	s4 =	sadd.s32 s5, s19  }
0x9d: {  	s8 =	simm.s32 $0x0;
	s20 =	sshll.u32 s6, $0x1;
	s6 =	sadd.s32 s21, s4  }
0x9e: {  	[timem:s8], [sflag:s22] =	dma.local [hbm:s6], s20  }
0x9f: {  	_ =	swait.ge [sflag:s22], s20  }
0xa0: {  	s5 =	ssub.s32 $0x0, s20;
	[sflag:s22] =	ssyncset.done $0x0  }
0xa1: {  	[sflag:s22] =	ssyncadd.s32 s5;
	_ =	sdelay $0x1  }
0xa2: {  	s23 =	simm.s32 $0x1B8B  }
0xa3: {  	_ =	swait.ge [sflag:s23], $0x1  }
0xa4: {  	[sflag:s23] =	ssyncset.done $0x0  }
0xa5: {  	s25 =	simm.s32 $0x1B8E;
	s24 =	sld [smem:$0x3FFE];
	[sflag:s23] =	ssyncadd.s32 $0xFFFFFFFF  }
0xa6: {  	s26 =	simm.s32 $execute0_lowered;
	[smem:$0x3FD2] =	sst s25  }
0xa7: {  	s6 =	sshll.u32 s26, $0x1;
	_ =	strace $0x80000046;
	[dreg:$0x1] =	wrdreg $0xFFFFFFFF  }
0xa8: {  	s28 =	simm.s32 $_size_execute0_lowered;
	s4 =	sadd.s32 s4, s6;
	[dreg:$0x0] =	wrdreg $0x0  }
0xa9: {  	s6 =	sshll.u32 s28, $0x1;
	[dreg:$0x2] =	wrdreg s4  }
0xaa: {  	[dreg:$0x3] =	wrdreg s6  }
0xab: {  	[dreg:$0x4] =	wrdreg $0xC0  }
0xac: {  	_ =	task [dreg:s8], $0x5FFFF  }
0xad: {  	[dreg:$0x1] =	wrdreg $0xFFFFFFFF  }
0xae: {  	[dreg:$0x0] =	wrdreg $0x60  }
0xaf: {  	[dreg:$0x2] =	wrdreg s2  }
0xb0: {  	[dreg:$0x3] =	wrdreg s24  }
0xb1: {  	[dreg:$0x4] =	wrdreg s18  }
0xb2: {  	[dreg:$0x5] =	wrdreg $0x9  }
0xb3: {  	_ =	task.clear_ibuf [dreg:s8], $0x6FFFF;
	_ =	strace $0x90000046  }
0xb4: {  	s29 =	simm.s32 $0x9;
	_ =	strace $0x80000048  }
0xb5: {  	_ =	swait.ge [sflag:s29], $0x1  }
0xb6: {  	[sflag:s29] =	ssyncadd.s32 $0xFFFFFFFF  }
0xb7: {  	_ =	strace $0x90000048  }
0xb8: {  	_ =	sfence  }
0xb9: {  	s30 =	sld [smem:$0x0];
	_ =	sdelay $0x2  }
0xba: {  	s31 =	sshll.u32 s1, $0xD;
	s1 =	sshrl.u32 s1, $0x2  }
0xbb: {  	s3 =	sand.u32 $0x4000, s31;
	s1 =	sadd.s32 s1, s30  }
0xbc: {  	s0 =	sor.u32 s3, s0;
	s1 =	sshll.u32 s1, $0x11  }
0xbd: {  	s0 =	sor.u32 s1, s0  }
0xbe: {  	s0 =	sadd.s32 $0x8F2B, s0  }
0xbf: {  	[sflag:s0] =	ssyncadd.remote.s32 $0x1  }
0xc0: {  	_ =	sfence.sel $0xFFFF  }
0xc1: {  	[dreg:$0x0] =	wrdreg $0xFFFFFFFF;
	(pc) =	sbr.abs _section_cstart, $3  }
0xc2: {  	[dreg:$0x1] =	wrdreg $0xFFFFFFFF  }
0xc3: {  	_ =	task.clear_ibuf [dreg:s8], $0x2FFFF;
	_ =	strace $0x9FFFFFFF  }
0xc4: {  	(tm) =	ssettm $0x7FFFFFFF  }
0xc5: {  	_ =	shalt  }
tec
execute0_lowered:
.L_overlay_start_1:
0x0: {  	(tag) =	ssettag $0x1  }
0x1: {  	s1 =	rddreg [dreg:$0x0]  }
0x2: {  	s5 =	rddreg [dreg:$0x1]  }
0x3: {  	s4 =	rddreg [dreg:$0x2];
	s3 =	srdreg.scid  }
0x4: {  	s0 =	rddreg [dreg:$0x3];
	s2 =	stileid.u32  }
0x5: {  	s10 =	simm.s32 $0x2;
	s11 =	simm.s32 $0x200;
	s12 =	simm.s32 $0xA00  }
0x6: {  	s13 =	simm.s32 $0x1200;
	s14 =	simm.s32 $0x1A00;
	s15 =	simm.s32 $0x2200  }
0x7: {  	s16 =	simm.s32 $0x2A00;
	s17 =	simm.s32 $0x3200;
	s18 =	simm.s32 $0x3A00  }
0x8: {  	s19 =	simm.s32 $0x4200;
	s20 =	simm.s32 $0x4A00;
	s21 =	simm.s32 $0x5200  }
0x9: {  	s22 =	simm.s32 $0x5A00;
	s23 =	simm.s32 $0x6200;
	s24 =	simm.s32 $0x6A00  }
0xa: {  	s25 =	simm.s32 $0x7200;
	s26 =	simm.s32 $0x7A00;
	s28 =	simm.s32 $0x1  }
0xb: {  	s6 =	sand.u32 $0x1, s3;
	s3 =	simm.s32 $0x0;
	s7 =	sshll.u32 s2, $0xA  }
0xc: {  	s8 =	sshll.u32 s6, $0x9;
	[smem:$0x7FF] =	sst s3;
	s6 =	ssub.s32 $0x2, s6  }
0xd: {  	s7 =	sor.u32 s8, s7;
	_ =	strace $0x80000047;
	s9 =	sshrl.u32 s6, $0x1  }
0xe: {  	v2 =	vlaneseq.u32;
	s8 =	sshll.u32 s7, $0x5;
	s7 =	sshrl.u32 s7, $0x3;
	s9 =	ssub.s32 s6, s9  }
0xf: {  	vm0 =	vmmov $0xffff;
	v1 =	vshrl.u32 v2, $0x3;
	s4 =	sadd.s32 s4, s8;
	s5 =	sadd.s32 s5, s7;
	s9 =	smax.u32 s9, $0x1  }
0x10: {  	v0 =	vand.u32 $0x7, v2;
	v2 =	vor.u32 $0x8, v2;
	v1 =	vmul.u32 $0x8, v1;
	s6 =	sadd.s32 $0x1000, s4;
	s7 =	sadd.s32 $0x2000, s4;
	s8 =	sadd.s32 $0x3000, s4  }
.LBB2_1:
0x11: {  	[tilespmem:s3], [sflag:$0x2] =	stream.linear.gather [hbm4b:s5+s3], $0x200, $0x38;
	[tilespmem:$0x8200] =	vst v63  }
0x12: {  	_ =	swait.ge [sflag:s10], $0x200  }
0x13: {  	[sflag:s10] =	ssyncset.done $0x0  }
0x14: {  	[sflag:s10] =	ssyncadd.s32 $0xFFFFFE00  }
0x15: {  	v3 =	vld [tilespmem:$0x0];
	_ =	sdelay $0x4  }
0x16: {  	v4 =	vshll.u32 v3, $0x1  }
0x17: {  	v3 =	vand.u32 $0x7, v3;
	v4 =	vand.u32 $0xFFFFFFF0, v4  }
0x18: {  	v3 =	vor.u32 v3, v4  }
0x19: {  	v4 =	vperm.xlane v3, v0;
	_ =	sdelay $0x1  }
0x1a: {  	v3 =	vperm.xlane v3, v2;
	v4 =	vadd.s32 v1, v4;
	_ =	sdelay $0x1  }
0x1b: {  	v3 =	vadd.s32 v1, v3;
	_ =	sdelay $0x2  }
0x1c: {  	[tilespmem:s11], [sflag:$0x1] =	stream.indirect_vreg.gather [hbm4b:s1+s3], $0x80, v4, vm0, $0xb8;
	[tilespmem:$0x8200] =	vst v63  }
0x1d: {  	_ = 	snop  }
0x1e: {  	[tilespmem:s12], [sflag:$0x1] =	stream.indirect_vreg.gather [hbm4b:s1+s3], $0x80, v3, vm0, $0xb8;
	[tilespmem:$0x8200] =	vst v63  }
0x1f: {  	v3 =	vld [tilespmem:$0x10];
	_ =	sdelay $0x4  }
0x20: {  	v33 =	vshll.u32 v3, $0x1  }
0x21: {  	v3 =	vand.u32 $0x7, v3;
	v4 =	vand.u32 $0xFFFFFFF0, v33  }
0x22: {  	v3 =	vor.u32 v3, v4  }
0x23: {  	v4 =	vperm.xlane v3, v0;
	_ =	sdelay $0x1  }
0x24: {  	v3 =	vperm.xlane v3, v2;
	v4 =	vadd.s32 v1, v4;
	_ =	sdelay $0x1  }
0x25: {  	v3 =	vadd.s32 v1, v3;
	_ =	sdelay $0x2  }
0x26: {  	[tilespmem:s13], [sflag:$0x1] =	stream.indirect_vreg.gather [hbm4b:s1+s3], $0x80, v4, vm0, $0xb8;
	[tilespmem:$0x8200] =	vst v63  }
0x27: {  	_ = 	snop  }
0x28: {  	[tilespmem:s14], [sflag:$0x1] =	stream.indirect_vreg.gather [hbm4b:s1+s3], $0x80, v3, vm0, $0xb8;
	[tilespmem:$0x8200] =	vst v63  }
0x29: {  	v3 =	vld [tilespmem:$0x20];
	_ =	sdelay $0x4  }
0x2a: {  	v34 =	vshll.u32 v3, $0x1  }
0x2b: {  	v3 =	vand.u32 $0x7, v3;
	v4 =	vand.u32 $0xFFFFFFF0, v34  }
0x2c: {  	v3 =	vor.u32 v3, v4  }
0x2d: {  	v4 =	vperm.xlane v3, v0;
	_ =	sdelay $0x1  }
0x2e: {  	v3 =	vperm.xlane v3, v2;
	v4 =	vadd.s32 v1, v4;
	_ =	sdelay $0x1  }
0x2f: {  	v3 =	vadd.s32 v1, v3;
	_ =	sdelay $0x2  }
0x30: {  	[tilespmem:s15], [sflag:$0x1] =	stream.indirect_vreg.gather [hbm4b:s1+s3], $0x80, v4, vm0, $0xb8;
	[tilespmem:$0x8200] =	vst v63  }
0x31: {  	_ = 	snop  }
0x32: {  	[tilespmem:s16], [sflag:$0x1] =	stream.indirect_vreg.gather [hbm4b:s1+s3], $0x80, v3, vm0, $0xb8;
	[tilespmem:$0x8200] =	vst v63  }
0x33: {  	v3 =	vld [tilespmem:$0x30];
	_ =	sdelay $0x4  }
0x34: {  	v35 =	vshll.u32 v3, $0x1  }
0x35: {  	v3 =	vand.u32 $0x7, v3;
	v4 =	vand.u32 $0xFFFFFFF0, v35  }
0x36: {  	v3 =	vor.u32 v3, v4  }
0x37: {  	v4 =	vperm.xlane v3, v0;
	_ =	sdelay $0x1  }
0x38: {  	v3 =	vperm.xlane v3, v2;
	v4 =	vadd.s32 v1, v4;
	_ =	sdelay $0x1  }
0x39: {  	v3 =	vadd.s32 v1, v3;
	_ =	sdelay $0x2  }
0x3a: {  	[tilespmem:s17], [sflag:$0x1] =	stream.indirect_vreg.gather [hbm4b:s1+s3], $0x80, v4, vm0, $0xb8;
	[tilespmem:$0x8200] =	vst v63  }
0x3b: {  	_ = 	snop  }
0x3c: {  	[tilespmem:s18], [sflag:$0x1] =	stream.indirect_vreg.gather [hbm4b:s1+s3], $0x80, v3, vm0, $0xb8;
	[tilespmem:$0x8200] =	vst v63  }
0x3d: {  	v3 =	vld [tilespmem:$0x40];
	_ =	sdelay $0x4  }
0x3e: {  	v36 =	vshll.u32 v3, $0x1  }
0x3f: {  	v3 =	vand.u32 $0x7, v3;
	v4 =	vand.u32 $0xFFFFFFF0, v36  }
0x40: {  	v3 =	vor.u32 v3, v4  }
0x41: {  	v4 =	vperm.xlane v3, v0;
	_ =	sdelay $0x1  }
0x42: {  	v3 =	vperm.xlane v3, v2;
	v4 =	vadd.s32 v1, v4;
	_ =	sdelay $0x1  }
0x43: {  	v3 =	vadd.s32 v1, v3;
	_ =	sdelay $0x2  }
0x44: {  	[tilespmem:s19], [sflag:$0x1] =	stream.indirect_vreg.gather [hbm4b:s1+s3], $0x80, v4, vm0, $0xb8;
	[tilespmem:$0x8200] =	vst v63  }
0x45: {  	_ = 	snop  }
0x46: {  	[tilespmem:s20], [sflag:$0x1] =	stream.indirect_vreg.gather [hbm4b:s1+s3], $0x80, v3, vm0, $0xb8;
	[tilespmem:$0x8200] =	vst v63  }
0x47: {  	v3 =	vld [tilespmem:$0x50];
	_ =	sdelay $0x4  }
0x48: {  	v37 =	vshll.u32 v3, $0x1  }
0x49: {  	v3 =	vand.u32 $0x7, v3;
	v4 =	vand.u32 $0xFFFFFFF0, v37  }
0x4a: {  	v3 =	vor.u32 v3, v4  }
0x4b: {  	v4 =	vperm.xlane v3, v0;
	_ =	sdelay $0x1  }
0x4c: {  	v3 =	vperm.xlane v3, v2;
	v4 =	vadd.s32 v1, v4;
	_ =	sdelay $0x1  }
0x4d: {  	v3 =	vadd.s32 v1, v3;
	_ =	sdelay $0x2  }
0x4e: {  	[tilespmem:s21], [sflag:$0x1] =	stream.indirect_vreg.gather [hbm4b:s1+s3], $0x80, v4, vm0, $0xb8;
	[tilespmem:$0x8200] =	vst v63  }
0x4f: {  	_ = 	snop  }
0x50: {  	[tilespmem:s22], [sflag:$0x1] =	stream.indirect_vreg.gather [hbm4b:s1+s3], $0x80, v3, vm0, $0xb8;
	[tilespmem:$0x8200] =	vst v63  }
0x51: {  	v3 =	vld [tilespmem:$0x60];
	_ =	sdelay $0x4  }
0x52: {  	v38 =	vshll.u32 v3, $0x1  }
0x53: {  	v3 =	vand.u32 $0x7, v3;
	v4 =	vand.u32 $0xFFFFFFF0, v38  }
0x54: {  	v3 =	vor.u32 v3, v4  }
0x55: {  	v4 =	vperm.xlane v3, v0;
	_ =	sdelay $0x1  }
0x56: {  	v3 =	vperm.xlane v3, v2;
	v4 =	vadd.s32 v1, v4;
	_ =	sdelay $0x1  }
0x57: {  	v3 =	vadd.s32 v1, v3;
	_ =	sdelay $0x2  }
0x58: {  	[tilespmem:s23], [sflag:$0x1] =	stream.indirect_vreg.gather [hbm4b:s1+s3], $0x80, v4, vm0, $0xb8;
	[tilespmem:$0x8200] =	vst v63  }
0x59: {  	_ = 	snop  }
0x5a: {  	[tilespmem:s24], [sflag:$0x1] =	stream.indirect_vreg.gather [hbm4b:s1+s3], $0x80, v3, vm0, $0xb8;
	[tilespmem:$0x8200] =	vst v63  }
0x5b: {  	v3 =	vld [tilespmem:$0x70];
	_ =	sdelay $0x4  }
0x5c: {  	v39 =	vshll.u32 v3, $0x1  }
0x5d: {  	v3 =	vand.u32 $0x7, v3;
	v4 =	vand.u32 $0xFFFFFFF0, v39  }
0x5e: {  	v3 =	vor.u32 v3, v4  }
0x5f: {  	v4 =	vperm.xlane v3, v0;
	_ =	sdelay $0x1  }
0x60: {  	v3 =	vperm.xlane v3, v2;
	v4 =	vadd.s32 v1, v4;
	_ =	sdelay $0x1  }
0x61: {  	v3 =	vadd.s32 v1, v3;
	_ =	sdelay $0x2  }
0x62: {  	[tilespmem:s25], [sflag:$0x1] =	stream.indirect_vreg.gather [hbm4b:s1+s3], $0x80, v4, vm0, $0xb8;
	[tilespmem:$0x8200] =	vst v63  }
0x63: {  	_ = 	snop  }
0x64: {  	[tilespmem:s26], [sflag:$0x1] =	stream.indirect_vreg.gather [hbm4b:s1+s3], $0x80, v3, vm0, $0xb8;
	[tilespmem:$0x8200] =	vst v63  }
0x65: {  	_ =	swait.ge [sflag:s28], $0x8000  }
0x66: {  	[sflag:s28] =	ssyncset.done $0x0  }
0x67: {  	[sflag:s28] =	ssyncadd.s32 $0xFFFF8000  }
0x68: {  	[hbm4b:s4+s3] =	stream.linear.scatter [tilespmem:s11], [sflag:$0x2], $0x8000, $0x38;
	[tilespmem:$0x8200] =	vst v63  }
0x69: {  	_ =	swait.ge [sflag:s10], $0x8000  }
0x6a: {  	[sflag:s10] =	ssyncset.done $0x0  }
0x6b: {  	[sflag:s10] =	ssyncadd.s32 $0xFFFF8000  }
0x6c: {  	v3 =	vld [tilespmem:$0x80];
	_ =	sdelay $0x4  }
0x6d: {  	v40 =	vshll.u32 v3, $0x1  }
0x6e: {  	v3 =	vand.u32 $0x7, v3;
	v4 =	vand.u32 $0xFFFFFFF0, v40  }
0x6f: {  	v3 =	vor.u32 v3, v4  }
0x70: {  	v4 =	vperm.xlane v3, v0;
	_ =	sdelay $0x1  }
0x71: {  	v3 =	vperm.xlane v3, v2;
	v4 =	vadd.s32 v1, v4;
	_ =	sdelay $0x1  }
0x72: {  	v3 =	vadd.s32 v1, v3;
	_ =	sdelay $0x2  }
0x73: {  	[tilespmem:s11], [sflag:$0x1] =	stream.indirect_vreg.gather [hbm4b:s1+s3], $0x80, v4, vm0, $0xb8;
	[tilespmem:$0x8200] =	vst v63  }
0x74: {  	_ = 	snop  }
0x75: {  	[tilespmem:s12], [sflag:$0x1] =	stream.indirect_vreg.gather [hbm4b:s1+s3], $0x80, v3, vm0, $0xb8;
	[tilespmem:$0x8200] =	vst v63  }
0x76: {  	v3 =	vld [tilespmem:$0x90];
	_ =	sdelay $0x4  }
0x77: {  	v41 =	vshll.u32 v3, $0x1  }
0x78: {  	v3 =	vand.u32 $0x7, v3;
	v4 =	vand.u32 $0xFFFFFFF0, v41  }
0x79: {  	v3 =	vor.u32 v3, v4  }
0x7a: {  	v4 =	vperm.xlane v3, v0;
	_ =	sdelay $0x1  }
0x7b: {  	v3 =	vperm.xlane v3, v2;
	v4 =	vadd.s32 v1, v4;
	_ =	sdelay $0x1  }
0x7c: {  	v3 =	vadd.s32 v1, v3;
	_ =	sdelay $0x2  }
0x7d: {  	[tilespmem:s13], [sflag:$0x1] =	stream.indirect_vreg.gather [hbm4b:s1+s3], $0x80, v4, vm0, $0xb8;
	[tilespmem:$0x8200] =	vst v63  }
0x7e: {  	_ = 	snop  }
0x7f: {  	[tilespmem:s14], [sflag:$0x1] =	stream.indirect_vreg.gather [hbm4b:s1+s3], $0x80, v3, vm0, $0xb8;
	[tilespmem:$0x8200] =	vst v63  }
0x80: {  	v3 =	vld [tilespmem:$0xA0];
	_ =	sdelay $0x4  }
0x81: {  	v42 =	vshll.u32 v3, $0x1  }
0x82: {  	v3 =	vand.u32 $0x7, v3;
	v4 =	vand.u32 $0xFFFFFFF0, v42  }
0x83: {  	v3 =	vor.u32 v3, v4  }
0x84: {  	v4 =	vperm.xlane v3, v0;
	_ =	sdelay $0x1  }
0x85: {  	v3 =	vperm.xlane v3, v2;
	v4 =	vadd.s32 v1, v4;
	_ =	sdelay $0x1  }
0x86: {  	v3 =	vadd.s32 v1, v3;
	_ =	sdelay $0x2  }
0x87: {  	[tilespmem:s15], [sflag:$0x1] =	stream.indirect_vreg.gather [hbm4b:s1+s3], $0x80, v4, vm0, $0xb8;
	[tilespmem:$0x8200] =	vst v63  }
0x88: {  	_ = 	snop  }
0x89: {  	[tilespmem:s16], [sflag:$0x1] =	stream.indirect_vreg.gather [hbm4b:s1+s3], $0x80, v3, vm0, $0xb8;
	[tilespmem:$0x8200] =	vst v63  }
0x8a: {  	v3 =	vld [tilespmem:$0xB0];
	_ =	sdelay $0x4  }
0x8b: {  	v43 =	vshll.u32 v3, $0x1  }
0x8c: {  	v3 =	vand.u32 $0x7, v3;
	v4 =	vand.u32 $0xFFFFFFF0, v43  }
0x8d: {  	v3 =	vor.u32 v3, v4  }
0x8e: {  	v4 =	vperm.xlane v3, v0;
	_ =	sdelay $0x1  }
0x8f: {  	v3 =	vperm.xlane v3, v2;
	v4 =	vadd.s32 v1, v4;
	_ =	sdelay $0x1  }
0x90: {  	v3 =	vadd.s32 v1, v3;
	_ =	sdelay $0x2  }
0x91: {  	[tilespmem:s17], [sflag:$0x1] =	stream.indirect_vreg.gather [hbm4b:s1+s3], $0x80, v4, vm0, $0xb8;
	[tilespmem:$0x8200] =	vst v63  }
0x92: {  	_ = 	snop  }
0x93: {  	[tilespmem:s18], [sflag:$0x1] =	stream.indirect_vreg.gather [hbm4b:s1+s3], $0x80, v3, vm0, $0xb8;
	[tilespmem:$0x8200] =	vst v63  }
0x94: {  	v3 =	vld [tilespmem:$0xC0];
	_ =	sdelay $0x4  }
0x95: {  	v44 =	vshll.u32 v3, $0x1  }
0x96: {  	v3 =	vand.u32 $0x7, v3;
	v4 =	vand.u32 $0xFFFFFFF0, v44  }
0x97: {  	v3 =	vor.u32 v3, v4  }
0x98: {  	v4 =	vperm.xlane v3, v0;
	_ =	sdelay $0x1  }
0x99: {  	v3 =	vperm.xlane v3, v2;
	v4 =	vadd.s32 v1, v4;
	_ =	sdelay $0x1  }
0x9a: {  	v3 =	vadd.s32 v1, v3;
	_ =	sdelay $0x2  }
0x9b: {  	[tilespmem:s19], [sflag:$0x1] =	stream.indirect_vreg.gather [hbm4b:s1+s3], $0x80, v4, vm0, $0xb8;
	[tilespmem:$0x8200] =	vst v63  }
0x9c: {  	_ = 	snop  }
0x9d: {  	[tilespmem:s20], [sflag:$0x1] =	stream.indirect_vreg.gather [hbm4b:s1+s3], $0x80, v3, vm0, $0xb8;
	[tilespmem:$0x8200] =	vst v63  }
0x9e: {  	v3 =	vld [tilespmem:$0xD0];
	_ =	sdelay $0x4  }
0x9f: {  	v45 =	vshll.u32 v3, $0x1  }
0xa0: {  	v3 =	vand.u32 $0x7, v3;
	v4 =	vand.u32 $0xFFFFFFF0, v45  }
0xa1: {  	v3 =	vor.u32 v3, v4  }
0xa2: {  	v4 =	vperm.xlane v3, v0;
	_ =	sdelay $0x1  }
0xa3: {  	v3 =	vperm.xlane v3, v2;
	v4 =	vadd.s32 v1, v4;
	_ =	sdelay $0x1  }
0xa4: {  	v3 =	vadd.s32 v1, v3;
	_ =	sdelay $0x2  }
0xa5: {  	[tilespmem:s21], [sflag:$0x1] =	stream.indirect_vreg.gather [hbm4b:s1+s3], $0x80, v4, vm0, $0xb8;
	[tilespmem:$0x8200] =	vst v63  }
0xa6: {  	_ = 	snop  }
0xa7: {  	[tilespmem:s22], [sflag:$0x1] =	stream.indirect_vreg.gather [hbm4b:s1+s3], $0x80, v3, vm0, $0xb8;
	[tilespmem:$0x8200] =	vst v63  }
0xa8: {  	v3 =	vld [tilespmem:$0xE0];
	_ =	sdelay $0x4  }
0xa9: {  	v46 =	vshll.u32 v3, $0x1  }
0xaa: {  	v3 =	vand.u32 $0x7, v3;
	v4 =	vand.u32 $0xFFFFFFF0, v46  }
0xab: {  	v3 =	vor.u32 v3, v4  }
0xac: {  	v4 =	vperm.xlane v3, v0;
	_ =	sdelay $0x1  }
0xad: {  	v3 =	vperm.xlane v3, v2;
	v4 =	vadd.s32 v1, v4;
	_ =	sdelay $0x1  }
0xae: {  	v3 =	vadd.s32 v1, v3;
	_ =	sdelay $0x2  }
0xaf: {  	[tilespmem:s23], [sflag:$0x1] =	stream.indirect_vreg.gather [hbm4b:s1+s3], $0x80, v4, vm0, $0xb8;
	[tilespmem:$0x8200] =	vst v63  }
0xb0: {  	_ = 	snop  }
0xb1: {  	[tilespmem:s24], [sflag:$0x1] =	stream.indirect_vreg.gather [hbm4b:s1+s3], $0x80, v3, vm0, $0xb8;
	[tilespmem:$0x8200] =	vst v63  }
0xb2: {  	v3 =	vld [tilespmem:$0xF0];
	_ =	sdelay $0x4  }
0xb3: {  	v47 =	vshll.u32 v3, $0x1  }
0xb4: {  	v3 =	vand.u32 $0x7, v3;
	v4 =	vand.u32 $0xFFFFFFF0, v47  }
0xb5: {  	v3 =	vor.u32 v3, v4  }
0xb6: {  	v4 =	vperm.xlane v3, v0;
	_ =	sdelay $0x1  }
0xb7: {  	v3 =	vperm.xlane v3, v2;
	v4 =	vadd.s32 v1, v4;
	_ =	sdelay $0x1  }
0xb8: {  	v3 =	vadd.s32 v1, v3;
	_ =	sdelay $0x2  }
0xb9: {  	[tilespmem:s25], [sflag:$0x1] =	stream.indirect_vreg.gather [hbm4b:s1+s3], $0x80, v4, vm0, $0xb8;
	[tilespmem:$0x8200] =	vst v63  }
0xba: {  	_ = 	snop  }
0xbb: {  	[tilespmem:s26], [sflag:$0x1] =	stream.indirect_vreg.gather [hbm4b:s1+s3], $0x80, v3, vm0, $0xb8;
	[tilespmem:$0x8200] =	vst v63  }
0xbc: {  	_ =	swait.ge [sflag:s28], $0x8000  }
0xbd: {  	[sflag:s28] =	ssyncset.done $0x0  }
0xbe: {  	[sflag:s28] =	ssyncadd.s32 $0xFFFF8000  }
0xbf: {  	[hbm4b:s6+s3] =	stream.linear.scatter [tilespmem:s11], [sflag:$0x2], $0x8000, $0x38;
	[tilespmem:$0x8200] =	vst v63  }
0xc0: {  	_ =	swait.ge [sflag:s10], $0x8000  }
0xc1: {  	[sflag:s10] =	ssyncset.done $0x0  }
0xc2: {  	[sflag:s10] =	ssyncadd.s32 $0xFFFF8000  }
0xc3: {  	v3 =	vld [tilespmem:$0x100];
	_ =	sdelay $0x4  }
0xc4: {  	v48 =	vshll.u32 v3, $0x1  }
0xc5: {  	v3 =	vand.u32 $0x7, v3;
	v4 =	vand.u32 $0xFFFFFFF0, v48  }
0xc6: {  	v3 =	vor.u32 v3, v4  }
0xc7: {  	v4 =	vperm.xlane v3, v0;
	_ =	sdelay $0x1  }
0xc8: {  	v3 =	vperm.xlane v3, v2;
	v4 =	vadd.s32 v1, v4;
	_ =	sdelay $0x1  }
0xc9: {  	v3 =	vadd.s32 v1, v3;
	_ =	sdelay $0x2  }
0xca: {  	[tilespmem:s11], [sflag:$0x1] =	stream.indirect_vreg.gather [hbm4b:s1+s3], $0x80, v4, vm0, $0xb8;
	[tilespmem:$0x8200] =	vst v63  }
0xcb: {  	_ = 	snop  }
0xcc: {  	[tilespmem:s12], [sflag:$0x1] =	stream.indirect_vreg.gather [hbm4b:s1+s3], $0x80, v3, vm0, $0xb8;
	[tilespmem:$0x8200] =	vst v63  }
0xcd: {  	v3 =	vld [tilespmem:$0x110];
	_ =	sdelay $0x4  }
0xce: {  	v49 =	vshll.u32 v3, $0x1  }
0xcf: {  	v3 =	vand.u32 $0x7, v3;
	v4 =	vand.u32 $0xFFFFFFF0, v49  }
0xd0: {  	v3 =	vor.u32 v3, v4  }
0xd1: {  	v4 =	vperm.xlane v3, v0;
	_ =	sdelay $0x1  }
0xd2: {  	v3 =	vperm.xlane v3, v2;
	v4 =	vadd.s32 v1, v4;
	_ =	sdelay $0x1  }
0xd3: {  	v3 =	vadd.s32 v1, v3;
	_ =	sdelay $0x2  }
0xd4: {  	[tilespmem:s13], [sflag:$0x1] =	stream.indirect_vreg.gather [hbm4b:s1+s3], $0x80, v4, vm0, $0xb8;
	[tilespmem:$0x8200] =	vst v63  }
0xd5: {  	_ = 	snop  }
0xd6: {  	[tilespmem:s14], [sflag:$0x1] =	stream.indirect_vreg.gather [hbm4b:s1+s3], $0x80, v3, vm0, $0xb8;
	[tilespmem:$0x8200] =	vst v63  }
0xd7: {  	v3 =	vld [tilespmem:$0x120];
	_ =	sdelay $0x4  }
0xd8: {  	v50 =	vshll.u32 v3, $0x1  }
0xd9: {  	v3 =	vand.u32 $0x7, v3;
	v4 =	vand.u32 $0xFFFFFFF0, v50  }
0xda: {  	v3 =	vor.u32 v3, v4  }
0xdb: {  	v4 =	vperm.xlane v3, v0;
	_ =	sdelay $0x1  }
0xdc: {  	v3 =	vperm.xlane v3, v2;
	v4 =	vadd.s32 v1, v4;
	_ =	sdelay $0x1  }
0xdd: {  	v3 =	vadd.s32 v1, v3;
	_ =	sdelay $0x2  }
0xde: {  	[tilespmem:s15], [sflag:$0x1] =	stream.indirect_vreg.gather [hbm4b:s1+s3], $0x80, v4, vm0, $0xb8;
	[tilespmem:$0x8200] =	vst v63  }
0xdf: {  	_ = 	snop  }
0xe0: {  	[tilespmem:s16], [sflag:$0x1] =	stream.indirect_vreg.gather [hbm4b:s1+s3], $0x80, v3, vm0, $0xb8;
	[tilespmem:$0x8200] =	vst v63  }
0xe1: {  	v3 =	vld [tilespmem:$0x130];
	_ =	sdelay $0x4  }
0xe2: {  	v51 =	vshll.u32 v3, $0x1  }
0xe3: {  	v3 =	vand.u32 $0x7, v3;
	v4 =	vand.u32 $0xFFFFFFF0, v51  }
0xe4: {  	v3 =	vor.u32 v3, v4  }
0xe5: {  	v4 =	vperm.xlane v3, v0;
	_ =	sdelay $0x1  }
0xe6: {  	v3 =	vperm.xlane v3, v2;
	v4 =	vadd.s32 v1, v4;
	_ =	sdelay $0x1  }
0xe7: {  	v3 =	vadd.s32 v1, v3;
	_ =	sdelay $0x2  }
0xe8: {  	[tilespmem:s17], [sflag:$0x1] =	stream.indirect_vreg.gather [hbm4b:s1+s3], $0x80, v4, vm0, $0xb8;
	[tilespmem:$0x8200] =	vst v63  }
0xe9: {  	_ = 	snop  }
0xea: {  	[tilespmem:s18], [sflag:$0x1] =	stream.indirect_vreg.gather [hbm4b:s1+s3], $0x80, v3, vm0, $0xb8;
	[tilespmem:$0x8200] =	vst v63  }
0xeb: {  	v3 =	vld [tilespmem:$0x140];
	_ =	sdelay $0x4  }
0xec: {  	v52 =	vshll.u32 v3, $0x1  }
0xed: {  	v3 =	vand.u32 $0x7, v3;
	v4 =	vand.u32 $0xFFFFFFF0, v52  }
0xee: {  	v3 =	vor.u32 v3, v4  }
0xef: {  	v4 =	vperm.xlane v3, v0;
	_ =	sdelay $0x1  }
0xf0: {  	v3 =	vperm.xlane v3, v2;
	v4 =	vadd.s32 v1, v4;
	_ =	sdelay $0x1  }
0xf1: {  	v3 =	vadd.s32 v1, v3;
	_ =	sdelay $0x2  }
0xf2: {  	[tilespmem:s19], [sflag:$0x1] =	stream.indirect_vreg.gather [hbm4b:s1+s3], $0x80, v4, vm0, $0xb8;
	[tilespmem:$0x8200] =	vst v63  }
0xf3: {  	_ = 	snop  }
0xf4: {  	[tilespmem:s20], [sflag:$0x1] =	stream.indirect_vreg.gather [hbm4b:s1+s3], $0x80, v3, vm0, $0xb8;
	[tilespmem:$0x8200] =	vst v63  }
0xf5: {  	v3 =	vld [tilespmem:$0x150];
	_ =	sdelay $0x4  }
0xf6: {  	v53 =	vshll.u32 v3, $0x1  }
0xf7: {  	v3 =	vand.u32 $0x7, v3;
	v4 =	vand.u32 $0xFFFFFFF0, v53  }
0xf8: {  	v3 =	vor.u32 v3, v4  }
0xf9: {  	v4 =	vperm.xlane v3, v0;
	_ =	sdelay $0x1  }
0xfa: {  	v3 =	vperm.xlane v3, v2;
	v4 =	vadd.s32 v1, v4;
	_ =	sdelay $0x1  }
0xfb: {  	v3 =	vadd.s32 v1, v3;
	_ =	sdelay $0x2  }
0xfc: {  	[tilespmem:s21], [sflag:$0x1] =	stream.indirect_vreg.gather [hbm4b:s1+s3], $0x80, v4, vm0, $0xb8;
	[tilespmem:$0x8200] =	vst v63  }
0xfd: {  	_ = 	snop  }
0xfe: {  	[tilespmem:s22], [sflag:$0x1] =	stream.indirect_vreg.gather [hbm4b:s1+s3], $0x80, v3, vm0, $0xb8;
	[tilespmem:$0x8200] =	vst v63  }
0xff: {  	v3 =	vld [tilespmem:$0x160];
	_ =	sdelay $0x4  }
0x100: {  	v54 =	vshll.u32 v3, $0x1  }
0x101: {  	v3 =	vand.u32 $0x7, v3;
	v4 =	vand.u32 $0xFFFFFFF0, v54  }
0x102: {  	v3 =	vor.u32 v3, v4  }
0x103: {  	v4 =	vperm.xlane v3, v0;
	_ =	sdelay $0x1  }
0x104: {  	v3 =	vperm.xlane v3, v2;
	v4 =	vadd.s32 v1, v4;
	_ =	sdelay $0x1  }
0x105: {  	v3 =	vadd.s32 v1, v3;
	_ =	sdelay $0x2  }
0x106: {  	[tilespmem:s23], [sflag:$0x1] =	stream.indirect_vreg.gather [hbm4b:s1+s3], $0x80, v4, vm0, $0xb8;
	[tilespmem:$0x8200] =	vst v63  }
0x107: {  	_ = 	snop  }
0x108: {  	[tilespmem:s24], [sflag:$0x1] =	stream.indirect_vreg.gather [hbm4b:s1+s3], $0x80, v3, vm0, $0xb8;
	[tilespmem:$0x8200] =	vst v63  }
0x109: {  	v3 =	vld [tilespmem:$0x170];
	_ =	sdelay $0x4  }
0x10a: {  	v55 =	vshll.u32 v3, $0x1  }
0x10b: {  	v3 =	vand.u32 $0x7, v3;
	v4 =	vand.u32 $0xFFFFFFF0, v55  }
0x10c: {  	v3 =	vor.u32 v3, v4  }
0x10d: {  	v4 =	vperm.xlane v3, v0;
	_ =	sdelay $0x1  }
0x10e: {  	v3 =	vperm.xlane v3, v2;
	v4 =	vadd.s32 v1, v4;
	_ =	sdelay $0x1  }
0x10f: {  	v3 =	vadd.s32 v1, v3;
	_ =	sdelay $0x2  }
0x110: {  	[tilespmem:s25], [sflag:$0x1] =	stream.indirect_vreg.gather [hbm4b:s1+s3], $0x80, v4, vm0, $0xb8;
	[tilespmem:$0x8200] =	vst v63  }
0x111: {  	_ = 	snop  }
0x112: {  	[tilespmem:s26], [sflag:$0x1] =	stream.indirect_vreg.gather [hbm4b:s1+s3], $0x80, v3, vm0, $0xb8;
	[tilespmem:$0x8200] =	vst v63  }
0x113: {  	_ =	swait.ge [sflag:s28], $0x8000  }
0x114: {  	[sflag:s28] =	ssyncset.done $0x0  }
0x115: {  	[sflag:s28] =	ssyncadd.s32 $0xFFFF8000  }
0x116: {  	[hbm4b:s7+s3] =	stream.linear.scatter [tilespmem:s11], [sflag:$0x2], $0x8000, $0x38;
	[tilespmem:$0x8200] =	vst v63  }
0x117: {  	_ =	swait.ge [sflag:s10], $0x8000  }
0x118: {  	[sflag:s10] =	ssyncset.done $0x0  }
0x119: {  	[sflag:s10] =	ssyncadd.s32 $0xFFFF8000  }
0x11a: {  	v3 =	vld [tilespmem:$0x180];
	_ =	sdelay $0x4  }
0x11b: {  	v56 =	vshll.u32 v3, $0x1  }
0x11c: {  	v3 =	vand.u32 $0x7, v3;
	v4 =	vand.u32 $0xFFFFFFF0, v56  }
0x11d: {  	v3 =	vor.u32 v3, v4  }
0x11e: {  	v4 =	vperm.xlane v3, v0;
	_ =	sdelay $0x1  }
0x11f: {  	v3 =	vperm.xlane v3, v2;
	v4 =	vadd.s32 v1, v4;
	_ =	sdelay $0x1  }
0x120: {  	v3 =	vadd.s32 v1, v3;
	_ =	sdelay $0x2  }
0x121: {  	[tilespmem:s11], [sflag:$0x1] =	stream.indirect_vreg.gather [hbm4b:s1+s3], $0x80, v4, vm0, $0xb8;
	[tilespmem:$0x8200] =	vst v63  }
0x122: {  	_ = 	snop  }
0x123: {  	[tilespmem:s12], [sflag:$0x1] =	stream.indirect_vreg.gather [hbm4b:s1+s3], $0x80, v3, vm0, $0xb8;
	[tilespmem:$0x8200] =	vst v63  }
0x124: {  	v3 =	vld [tilespmem:$0x190];
	_ =	sdelay $0x4  }
0x125: {  	v57 =	vshll.u32 v3, $0x1  }
0x126: {  	v3 =	vand.u32 $0x7, v3;
	v4 =	vand.u32 $0xFFFFFFF0, v57  }
0x127: {  	v3 =	vor.u32 v3, v4  }
0x128: {  	v4 =	vperm.xlane v3, v0;
	_ =	sdelay $0x1  }
0x129: {  	v3 =	vperm.xlane v3, v2;
	v4 =	vadd.s32 v1, v4;
	_ =	sdelay $0x1  }
0x12a: {  	v3 =	vadd.s32 v1, v3;
	_ =	sdelay $0x2  }
0x12b: {  	[tilespmem:s13], [sflag:$0x1] =	stream.indirect_vreg.gather [hbm4b:s1+s3], $0x80, v4, vm0, $0xb8;
	[tilespmem:$0x8200] =	vst v63  }
0x12c: {  	_ = 	snop  }
0x12d: {  	[tilespmem:s14], [sflag:$0x1] =	stream.indirect_vreg.gather [hbm4b:s1+s3], $0x80, v3, vm0, $0xb8;
	[tilespmem:$0x8200] =	vst v63  }
0x12e: {  	v3 =	vld [tilespmem:$0x1A0];
	_ =	sdelay $0x4  }
0x12f: {  	v58 =	vshll.u32 v3, $0x1  }
0x130: {  	v3 =	vand.u32 $0x7, v3;
	v4 =	vand.u32 $0xFFFFFFF0, v58  }
0x131: {  	v3 =	vor.u32 v3, v4  }
0x132: {  	v4 =	vperm.xlane v3, v0;
	_ =	sdelay $0x1  }
0x133: {  	v3 =	vperm.xlane v3, v2;
	v4 =	vadd.s32 v1, v4;
	_ =	sdelay $0x1  }
0x134: {  	v3 =	vadd.s32 v1, v3;
	_ =	sdelay $0x2  }
0x135: {  	[tilespmem:s15], [sflag:$0x1] =	stream.indirect_vreg.gather [hbm4b:s1+s3], $0x80, v4, vm0, $0xb8;
	[tilespmem:$0x8200] =	vst v63  }
0x136: {  	_ = 	snop  }
0x137: {  	[tilespmem:s16], [sflag:$0x1] =	stream.indirect_vreg.gather [hbm4b:s1+s3], $0x80, v3, vm0, $0xb8;
	[tilespmem:$0x8200] =	vst v63  }
0x138: {  	v3 =	vld [tilespmem:$0x1B0];
	_ =	sdelay $0x4  }
0x139: {  	v59 =	vshll.u32 v3, $0x1  }
0x13a: {  	v3 =	vand.u32 $0x7, v3;
	v4 =	vand.u32 $0xFFFFFFF0, v59  }
0x13b: {  	v3 =	vor.u32 v3, v4  }
0x13c: {  	v4 =	vperm.xlane v3, v0;
	_ =	sdelay $0x1  }
0x13d: {  	v3 =	vperm.xlane v3, v2;
	v4 =	vadd.s32 v1, v4;
	_ =	sdelay $0x1  }
0x13e: {  	v3 =	vadd.s32 v1, v3;
	_ =	sdelay $0x2  }
0x13f: {  	[tilespmem:s17], [sflag:$0x1] =	stream.indirect_vreg.gather [hbm4b:s1+s3], $0x80, v4, vm0, $0xb8;
	[tilespmem:$0x8200] =	vst v63  }
0x140: {  	_ = 	snop  }
0x141: {  	[tilespmem:s18], [sflag:$0x1] =	stream.indirect_vreg.gather [hbm4b:s1+s3], $0x80, v3, vm0, $0xb8;
	[tilespmem:$0x8200] =	vst v63  }
0x142: {  	v3 =	vld [tilespmem:$0x1C0];
	_ =	sdelay $0x4  }
0x143: {  	v60 =	vshll.u32 v3, $0x1  }
0x144: {  	v3 =	vand.u32 $0x7, v3;
	v4 =	vand.u32 $0xFFFFFFF0, v60  }
0x145: {  	v3 =	vor.u32 v3, v4  }
0x146: {  	v4 =	vperm.xlane v3, v0;
	_ =	sdelay $0x1  }
0x147: {  	v3 =	vperm.xlane v3, v2;
	v4 =	vadd.s32 v1, v4;
	_ =	sdelay $0x1  }
0x148: {  	v3 =	vadd.s32 v1, v3;
	_ =	sdelay $0x2  }
0x149: {  	[tilespmem:s19], [sflag:$0x1] =	stream.indirect_vreg.gather [hbm4b:s1+s3], $0x80, v4, vm0, $0xb8;
	[tilespmem:$0x8200] =	vst v63  }
0x14a: {  	_ = 	snop  }
0x14b: {  	[tilespmem:s20], [sflag:$0x1] =	stream.indirect_vreg.gather [hbm4b:s1+s3], $0x80, v3, vm0, $0xb8;
	[tilespmem:$0x8200] =	vst v63  }
0x14c: {  	v3 =	vld [tilespmem:$0x1D0];
	_ =	sdelay $0x4  }
0x14d: {  	v61 =	vshll.u32 v3, $0x1  }
0x14e: {  	v3 =	vand.u32 $0x7, v3;
	v4 =	vand.u32 $0xFFFFFFF0, v61  }
0x14f: {  	v3 =	vor.u32 v3, v4  }
0x150: {  	v4 =	vperm.xlane v3, v0;
	_ =	sdelay $0x1  }
0x151: {  	v3 =	vperm.xlane v3, v2;
	v4 =	vadd.s32 v1, v4;
	_ =	sdelay $0x1  }
0x152: {  	v3 =	vadd.s32 v1, v3;
	_ =	sdelay $0x2  }
0x153: {  	[tilespmem:s21], [sflag:$0x1] =	stream.indirect_vreg.gather [hbm4b:s1+s3], $0x80, v4, vm0, $0xb8;
	[tilespmem:$0x8200] =	vst v63  }
0x154: {  	_ = 	snop  }
0x155: {  	[tilespmem:s22], [sflag:$0x1] =	stream.indirect_vreg.gather [hbm4b:s1+s3], $0x80, v3, vm0, $0xb8;
	[tilespmem:$0x8200] =	vst v63  }
0x156: {  	v3 =	vld [tilespmem:$0x1E0];
	_ =	sdelay $0x4  }
0x157: {  	v62 =	vshll.u32 v3, $0x1  }
0x158: {  	v3 =	vand.u32 $0x7, v3;
	v4 =	vand.u32 $0xFFFFFFF0, v62  }
0x159: {  	v3 =	vor.u32 v3, v4  }
0x15a: {  	v4 =	vperm.xlane v3, v0;
	_ =	sdelay $0x1  }
0x15b: {  	v3 =	vperm.xlane v3, v2;
	v4 =	vadd.s32 v1, v4;
	_ =	sdelay $0x1  }
0x15c: {  	v3 =	vadd.s32 v1, v3;
	_ =	sdelay $0x2  }
0x15d: {  	[tilespmem:s23], [sflag:$0x1] =	stream.indirect_vreg.gather [hbm4b:s1+s3], $0x80, v4, vm0, $0xb8;
	[tilespmem:$0x8200] =	vst v63  }
0x15e: {  	_ = 	snop  }
0x15f: {  	[tilespmem:s24], [sflag:$0x1] =	stream.indirect_vreg.gather [hbm4b:s1+s3], $0x80, v3, vm0, $0xb8;
	[tilespmem:$0x8200] =	vst v63  }
0x160: {  	v3 =	vld [tilespmem:$0x1F0];
	_ =	sdelay $0x4  }
0x161: {  	v63 =	vshll.u32 v3, $0x1  }
0x162: {  	v3 =	vand.u32 $0x7, v3;
	v4 =	vand.u32 $0xFFFFFFF0, v63  }
0x163: {  	v3 =	vor.u32 v3, v4  }
0x164: {  	v4 =	vperm.xlane v3, v0;
	_ =	sdelay $0x1  }
0x165: {  	v3 =	vperm.xlane v3, v2;
	v4 =	vadd.s32 v1, v4;
	_ =	sdelay $0x1  }
0x166: {  	v3 =	vadd.s32 v1, v3;
	_ =	sdelay $0x2  }
0x167: {  	[tilespmem:s25], [sflag:$0x1] =	stream.indirect_vreg.gather [hbm4b:s1+s3], $0x80, v4, vm0, $0xb8;
	[tilespmem:$0x8200] =	vst v63  }
0x168: {  	_ = 	snop  }
0x169: {  	[tilespmem:s26], [sflag:$0x1] =	stream.indirect_vreg.gather [hbm4b:s1+s3], $0x80, v3, vm0, $0xb8;
	[tilespmem:$0x8200] =	vst v63  }
0x16a: {  	_ =	swait.ge [sflag:s28], $0x8000  }
0x16b: {  	p0 =	sne.s32 s9, $0x1;
	[sflag:s28] =	ssyncset.done $0x0  }
.Ltmp0:
0x16c: {  	[sflag:s28] =	ssyncadd.s32 $0xFFFF8000;
	(pc) =	sbr.rel @p0 .LBB2_1-.Ltmp0, $4  }
0x16d: {  	[hbm4b:s8+s3] =	stream.linear.scatter [tilespmem:s11], [sflag:$0x2], $0x8000, $0x38;
	[tilespmem:$0x8200] =	vst v63  }
0x16e: {  	_ =	swait.ge [sflag:s10], $0x8000  }
0x16f: {  	[sflag:s10] =	ssyncset.done $0x0  }
0x170: {  	s9 =	sadd.s32 $0xFFFFFFFF, s9;
	[sflag:s10] =	ssyncadd.s32 $0xFFFF8000  }
0x171: {  	_ =	sfence.sel $0x180000  }
0x172: {  	[bflag:$0x0] =	sbarrier.arrive $0xFFFF  }
0x173: {  	p0 =	sne.s32 s2, $0x0;
	_ =	strace $0x90000047  }
0x174: {  	s0 =	sadd.s32 @!p0 $0x100000, s0;
	[bflag:$0x2] =	sbarrier.arrive $0xFFFF  }
0x175: {  	[sflag:s0] =	ssyncadd.tile.s32 @!p0 $0x1;
	_ =	shalt  }
.Lfunc_end2:
_tile_overlayer_lowered:
.L_overlay_start_2:
0x176: {  	(tag) =	ssettag $0x2  }
0x177: {  	s0 =	rddreg [dreg:$0x0];
	s2 =	stileid.u32  }
0x178: {  	s1 =	rddreg [dreg:$0x1];
	p0 =	sne.s32 s2, $0x0  }
0x179: {  	s3 =	rddreg [dreg:$0x2];
	[bflag:$0x3] =	sbarrier.arrive $0xFFFF;
	s2 =	simm.s32 @!p0 $0x1C02  }
0x17a: {  	[timem:s3], [sflag:s2] =	dma.local @!p0 [hbm:s0], s1  }
0x17b: {  	s0 =	simm.s32 @!p0 $0x2  }
0x17c: {  	_ =	swait.ge @!p0 [sflag:s0], s1  }
0x17d: {  	s1 =	ssub.s32 @!p0 $0x0, s1;
	[sflag:s0] =	ssyncset.done @!p0 $0x0  }
0x17e: {  	[sflag:s0] =	ssyncadd.s32 @!p0 s1  }
0x17f: {  	[bflag:$0x3] =	sbarrier.arrive $0xFFFF  }
0x180: {  	_ =	shalt  }

</sc_bundles>
